<compile_context>
chip_gen: v7x
topology: tpu7x:2x2x1
jax: 0.10.2.dev20260603
libtpu: 0.0.44.dev20260713+nightly
codegen_flags: <defaults>
</compile_context>

<pallas_src>
import jax
import jax.numpy as jnp
from jax import lax
from jax.experimental import pallas as pl
from jax.experimental.pallas import tpu as pltpu
from jax.experimental.pallas import tpu_sc as plsc

N = 10000
E = 320000
D = 128

NC = 2
NS = 16
NW = NC * NS
EPW = E // NW
C = 128
CHUNKS = 3 * (-(-EPW // (3 * C)))
EPW_PAD = CHUNKS * C
N_PAD = 10112
RPT = N_PAD // NS


def _sc_body(xn_hbm, src_hbm, dst_hbm, out_hbm,
             src_v, dst_v, rows_v, rows_v2, rows_v3, tbl_sh, acc_sh,
             gsem, gsem2, gsem3):
    c = lax.axis_index("c")
    s = lax.axis_index("s")
    w = c * NS + s
    pltpu.sync_copy(src_hbm.at[w], src_v)
    pltpu.sync_copy(dst_hbm.at[w], dst_v)
    @pl.when(s < NS - 1)
    def _():
        pltpu.sync_copy(xn_hbm.at[pl.ds(s * RPT, RPT)],
                        tbl_sh.at[pl.ds(s * RPT, RPT)])

    @pl.when(s == NS - 1)
    def _():
        pltpu.sync_copy(xn_hbm.at[pl.ds((NS - 1) * RPT, N - (NS - 1) * RPT)],
                        tbl_sh.at[pl.ds((NS - 1) * RPT, N - (NS - 1) * RPT)])
    zrow = jnp.zeros((32,), jnp.bfloat16)

    def zero_row(j, carry):
        for k in range(D // 32):
            rows_v[j, pl.ds(k * 32, 32)] = zrow
        return carry

    lax.fori_loop(0, C, zero_row, 0)
    for k in range(RPT // C + 1):
        size = C if k < RPT // C else RPT - (RPT // C) * C
        pltpu.sync_copy(rows_v.at[pl.ds(0, size)],
                        acc_sh.at[pl.ds(s * RPT + k * C, size)])
    plsc.subcore_barrier()

    bufs = (rows_v, rows_v2, rows_v3)
    gsems = (gsem, gsem2, gsem3)

    def group_body(i, carry):
        descs = [
            pltpu.async_copy(tbl_sh.at[src_v.at[3 * i + b]],
                             bufs[b], gsems[b])
            for b in range(3)
        ]
        for b in range(3):
            descs[b].wait()
            pltpu.sync_copy(bufs[b], acc_sh.at[dst_v.at[3 * i + b]],
                            add=True)
        return carry

    lax.fori_loop(0, CHUNKS // 3, group_body, 0)
    plsc.subcore_barrier()
    pltpu.sync_copy(acc_sh.at[pl.ds(s * RPT, RPT)],
                    out_hbm.at[c, pl.ds(s * RPT, RPT)])


def _prescale_body(x_ref, norm_ref, o_ref):
    o_ref[...] = (x_ref[...] * norm_ref[...]).astype(jnp.bfloat16)


def _apply_body(p_ref, norm_ref, w_ref, b_ref, o_ref):
    acc = ((p_ref[0].astype(jnp.float32) + p_ref[1].astype(jnp.float32))
           * norm_ref[...])
    h = lax.dot_general(acc, w_ref[...], (((1,), (1,)), ((), ())),
                        preferred_element_type=jnp.float32)
    o_ref[...] = jnp.maximum(h + b_ref[...], 0.0)


_ROWS_BLK = 1000


def kernel(x, norm, edge_index, W, b):
    xn = pl.pallas_call(
        _prescale_body,
        out_shape=jax.ShapeDtypeStruct((N, D), jnp.bfloat16),
        grid=(N // _ROWS_BLK,),
        in_specs=[pl.BlockSpec((_ROWS_BLK, D), lambda i: (i, 0)),
                  pl.BlockSpec((_ROWS_BLK, 1), lambda i: (i, 0))],
        out_specs=pl.BlockSpec((_ROWS_BLK, D), lambda i: (i, 0)),
    )(x, norm)

    src = edge_index[0].reshape(NW, EPW)
    dst = edge_index[1].reshape(NW, EPW)
    pad_n = EPW_PAD - EPW
    src_p = jnp.pad(src, ((0, 0), (0, pad_n))).reshape(NW, CHUNKS, C)
    trash = (N + (jnp.arange(pad_n, dtype=jnp.int32) % (N_PAD - N)))
    dst_p = jnp.concatenate(
        [dst, jnp.broadcast_to(trash, (NW, pad_n))], axis=1
    ).reshape(NW, CHUNKS, C)

    mesh = plsc.VectorSubcoreMesh(core_axis_name="c", subcore_axis_name="s")
    parts = pl.kernel(
        _sc_body,
        out_type=jax.ShapeDtypeStruct((NC, N_PAD, D), jnp.bfloat16),
        mesh=mesh,
        compiler_params=pltpu.CompilerParams(use_tc_tiling_on_sc=False),
        scratch_types=[
            pltpu.VMEM((CHUNKS, C), jnp.int32),
            pltpu.VMEM((CHUNKS, C), jnp.int32),
            pltpu.VMEM((C, D), jnp.bfloat16),
            pltpu.VMEM((C, D), jnp.bfloat16),
            pltpu.VMEM((C, D), jnp.bfloat16),
            pltpu.VMEM_SHARED((N_PAD, D), jnp.bfloat16),
            pltpu.VMEM_SHARED((N_PAD, D), jnp.bfloat16),
            pltpu.SemaphoreType.DMA,
            pltpu.SemaphoreType.DMA,
            pltpu.SemaphoreType.DMA,
        ],
    )(xn, src_p, dst_p)

    b2 = b.reshape(1, D)
    h = pl.pallas_call(
        _apply_body,
        out_shape=jax.ShapeDtypeStruct((N, D), jnp.float32),
        grid=(N // _ROWS_BLK,),
        in_specs=[
            pl.BlockSpec((NC, _ROWS_BLK, D), lambda i: (0, i, 0)),
            pl.BlockSpec((_ROWS_BLK, 1), lambda i: (i, 0)),
            pl.BlockSpec((D, D), lambda i: (0, 0)),
            pl.BlockSpec((1, D), lambda i: (0, 0)),
        ],
        out_specs=pl.BlockSpec((_ROWS_BLK, D), lambda i: (i, 0)),
    )(parts, norm, W, b2)
    return h

# --- scband reference (transcript-rebuilt; emitter-appended) ---
"""Pipeline reference for scband-gcn-19834158973315 (READ-ONLY COPY).

The authoritative reference and input builder live on the scoring server;
editing this copy changes nothing except your own understanding.
"""

import jax, jax.numpy as jnp
import numpy as np

N = 10000
E = 320000
D = 128

def setup_inputs(seed: int = 0) -> dict:
    key = jax.random.key(seed)
    k1, k2, k3, k4 = jax.random.split(key, 4)
    x = jax.random.normal(k1, (N, D), dtype=jnp.float32)
    norm = jax.random.uniform(k2, (N, 1), dtype=jnp.float32)
    edge_index = jax.random.randint(k3, (2, E), 0, N, dtype=jnp.int32)
    W = jax.random.normal(k4, (D, D), dtype=jnp.float32) * (1.0 / np.sqrt(D))
    b = jnp.zeros((D,), dtype=jnp.float32)
    return {"x": x, "norm": norm, "edge_index": edge_index, "W": W, "b": b}

def reference(x, norm, edge_index, W, b):
    # DGL GCN: msg = h[src] * norm[src]; reduce = sum over mailbox * norm[dst];
    # apply_nodes = activation(Linear(h))
    src = edge_index[0]
    dst = edge_index[1]
    msg = x[src] * norm[src]                       # gather (SparseCore)
    accum = jax.ops.segment_sum(msg, dst, num_segments=N)  # scatter-add (SparseCore)
    h = accum * norm
    h = h @ W.T + b                                # NodeApplyModule.linear
    h = jax.nn.relu(h)                             # activation
    return h

if __name__ == "__main__":
    import jax
    _d = setup_inputs()
    print(jax.jit(kernel)(*tuple(_d.values())))

</pallas_src>

<mosaic_0001>
#map = affine_map<(d0, d1) -> (0, 0)>
#map1 = affine_map<(d0, d1) -> (0, 0, 0)>
module attributes {stable_mosaic.version = 14 : i64} {
  func.func @_sc_body(%arg0: i32, %arg1: i32, %arg2: memref<10000x128xbf16, #tpu.memory_space<hbm>>, %arg3: memref<32x81x128xi32, #tpu.memory_space<hbm>>, %arg4: memref<32x81x128xi32, #tpu.memory_space<hbm>>, %arg5: memref<2x10112x128xbf16, #tpu.memory_space<hbm>>, %arg6: memref<81x128xi32, #tpu.memory_space<vmem>>, %arg7: memref<81x128xi32, #tpu.memory_space<vmem>>, %arg8: memref<128x128xbf16, #tpu.memory_space<vmem>>, %arg9: memref<128x128xbf16, #tpu.memory_space<vmem>>, %arg10: memref<128x128xbf16, #tpu.memory_space<vmem>>, %arg11: memref<10112x128xbf16, #tpu.memory_space<vmem_shared>>, %arg12: memref<10112x128xbf16, #tpu.memory_space<vmem_shared>>, %arg13: memref<!tpu.dma_semaphore, #tpu.memory_space<semaphore_mem>>, %arg14: memref<!tpu.dma_semaphore, #tpu.memory_space<semaphore_mem>>, %arg15: memref<!tpu.dma_semaphore, #tpu.memory_space<semaphore_mem>>) attributes {dimension_semantics = [#tpu.dimension_semantics<core_parallel>, #tpu.dimension_semantics<subcore_parallel>], iteration_bounds = array<i64: 2, 16>, scalar_prefetch = 0 : i64, scratch_operands = 10 : i64, tpu.core_type = #tpu.core_type<sc_vector_subcore>, window_params = [{transform_indices = #map}, {transform_indices = #map1}, {transform_indices = #map1}, {transform_indices = #map1}]} {
    %mul3A = arith.constant 16 : i32
    %mul3A_0 = arith.muli %arg0, %mul3A : i32
    %add3A = arith.addi %mul3A_0, %arg1 : i32
    "tpu.region"() ({
      %run_scoped3A = tpu.sem_alloc : memref<!tpu.dma_semaphore, #tpu.memory_space<semaphore_mem>>
      %dma_start3A = arith.constant 0 : i32
      %dma_start3A_44 = arith.constant 0 : i32
      %dma_start3A_45 = tpu.memref_slice %arg3[%add3A, %dma_start3A, %dma_start3A_44] : memref<32x81x128xi32, #tpu.memory_space<hbm>> -> memref<1x81x128xi32, #tpu.memory_space<hbm>>
      %dma_start3A_46 = tpu.memref_squeeze %dma_start3A_45 : memref<1x81x128xi32, #tpu.memory_space<hbm>> -> memref<81x128xi32, #tpu.memory_space<hbm>>
      %dma_start3A_47 = arith.constant 0 : i32
      %dma_start3A_48 = arith.constant 0 : i32
      %dma_start3A_49 = tpu.memref_slice %arg3[%add3A, %dma_start3A_47, %dma_start3A_48] : memref<32x81x128xi32, #tpu.memory_space<hbm>> -> memref<1x81x128xi32, #tpu.memory_space<hbm>>
      %dma_start3A_50 = tpu.memref_squeeze %dma_start3A_49 : memref<1x81x128xi32, #tpu.memory_space<hbm>> -> memref<81x128xi32, #tpu.memory_space<hbm>>
      tpu.enqueue_dma source(%dma_start3A_50 : memref<81x128xi32, #tpu.memory_space<hbm>>) target(%arg6 : memref<81x128xi32, #tpu.memory_space<vmem>>) target_semaphore(%run_scoped3A : memref<!tpu.dma_semaphore, #tpu.memory_space<semaphore_mem>>)
      %dma_wait3A = arith.constant 0 : i32
      %dma_wait3A_51 = arith.constant 0 : i32
      %dma_wait3A_52 = tpu.memref_slice %arg3[%add3A, %dma_wait3A, %dma_wait3A_51] : memref<32x81x128xi32, #tpu.memory_space<hbm>> -> memref<1x81x128xi32, #tpu.memory_space<hbm>>
      %dma_wait3A_53 = tpu.memref_squeeze %dma_wait3A_52 : memref<1x81x128xi32, #tpu.memory_space<hbm>> -> memref<81x128xi32, #tpu.memory_space<hbm>>
      %dma_wait3A_54 = arith.constant 0 : i32
      %dma_wait3A_55 = arith.constant 0 : i32
      %dma_wait3A_56 = tpu.memref_slice %arg3[%add3A, %dma_wait3A_54, %dma_wait3A_55] : memref<32x81x128xi32, #tpu.memory_space<hbm>> -> memref<1x81x128xi32, #tpu.memory_space<hbm>>
      %dma_wait3A_57 = tpu.memref_squeeze %dma_wait3A_56 : memref<1x81x128xi32, #tpu.memory_space<hbm>> -> memref<81x128xi32, #tpu.memory_space<hbm>>
      tpu.wait_dma2 semaphore(%run_scoped3A : memref<!tpu.dma_semaphore, #tpu.memory_space<semaphore_mem>>) src(%dma_wait3A_57 : memref<81x128xi32, #tpu.memory_space<hbm>>) dst(%arg6 : memref<81x128xi32, #tpu.memory_space<vmem>>)
      tpu.yield
    }) : () -> ()
    "tpu.region"() ({
      %run_scoped3A = tpu.sem_alloc : memref<!tpu.dma_semaphore, #tpu.memory_space<semaphore_mem>>
      %dma_start3A = arith.constant 0 : i32
      %dma_start3A_44 = arith.constant 0 : i32
      %dma_start3A_45 = tpu.memref_slice %arg4[%add3A, %dma_start3A, %dma_start3A_44] : memref<32x81x128xi32, #tpu.memory_space<hbm>> -> memref<1x81x128xi32, #tpu.memory_space<hbm>>
      %dma_start3A_46 = tpu.memref_squeeze %dma_start3A_45 : memref<1x81x128xi32, #tpu.memory_space<hbm>> -> memref<81x128xi32, #tpu.memory_space<hbm>>
      %dma_start3A_47 = arith.constant 0 : i32
      %dma_start3A_48 = arith.constant 0 : i32
      %dma_start3A_49 = tpu.memref_slice %arg4[%add3A, %dma_start3A_47, %dma_start3A_48] : memref<32x81x128xi32, #tpu.memory_space<hbm>> -> memref<1x81x128xi32, #tpu.memory_space<hbm>>
      %dma_start3A_50 = tpu.memref_squeeze %dma_start3A_49 : memref<1x81x128xi32, #tpu.memory_space<hbm>> -> memref<81x128xi32, #tpu.memory_space<hbm>>
      tpu.enqueue_dma source(%dma_start3A_50 : memref<81x128xi32, #tpu.memory_space<hbm>>) target(%arg7 : memref<81x128xi32, #tpu.memory_space<vmem>>) target_semaphore(%run_scoped3A : memref<!tpu.dma_semaphore, #tpu.memory_space<semaphore_mem>>)
      %dma_wait3A = arith.constant 0 : i32
      %dma_wait3A_51 = arith.constant 0 : i32
      %dma_wait3A_52 = tpu.memref_slice %arg4[%add3A, %dma_wait3A, %dma_wait3A_51] : memref<32x81x128xi32, #tpu.memory_space<hbm>> -> memref<1x81x128xi32, #tpu.memory_space<hbm>>
      %dma_wait3A_53 = tpu.memref_squeeze %dma_wait3A_52 : memref<1x81x128xi32, #tpu.memory_space<hbm>> -> memref<81x128xi32, #tpu.memory_space<hbm>>
      %dma_wait3A_54 = arith.constant 0 : i32
      %dma_wait3A_55 = arith.constant 0 : i32
      %dma_wait3A_56 = tpu.memref_slice %arg4[%add3A, %dma_wait3A_54, %dma_wait3A_55] : memref<32x81x128xi32, #tpu.memory_space<hbm>> -> memref<1x81x128xi32, #tpu.memory_space<hbm>>
      %dma_wait3A_57 = tpu.memref_squeeze %dma_wait3A_56 : memref<1x81x128xi32, #tpu.memory_space<hbm>> -> memref<81x128xi32, #tpu.memory_space<hbm>>
      tpu.wait_dma2 semaphore(%run_scoped3A : memref<!tpu.dma_semaphore, #tpu.memory_space<semaphore_mem>>) src(%dma_wait3A_57 : memref<81x128xi32, #tpu.memory_space<hbm>>) dst(%arg7 : memref<81x128xi32, #tpu.memory_space<vmem>>)
      tpu.yield
    }) : () -> ()
    %lt3A = arith.constant 15 : i32
    %lt3A_1 = arith.cmpi slt, %arg1, %lt3A : i32
    %convert_element_type3A = arith.extui %lt3A_1 : i1 to i32
    %cond3A = arith.constant 0 : i32
    %cond3A_2 = arith.cmpi ne, %convert_element_type3A, %cond3A : i32
    scf.if %cond3A_2 {
      %mul3A_44 = arith.constant 632 : i32
      %mul3A_45 = arith.muli %arg1, %mul3A_44 : i32
      %mul3A_46 = arith.constant 632 : i32
      %mul3A_47 = arith.muli %arg1, %mul3A_46 : i32
      "tpu.region"() ({
        %run_scoped3A = tpu.sem_alloc : memref<!tpu.dma_semaphore, #tpu.memory_space<semaphore_mem>>
        %dma_start3A = arith.constant 0 : i32
        %dma_start3A_48 = tpu.memref_slice %arg11[%mul3A_47, %dma_start3A] : memref<10112x128xbf16, #tpu.memory_space<vmem_shared>> -> memref<632x128xbf16, #tpu.memory_space<vmem_shared>>
        %dma_start3A_49 = arith.constant 0 : i32
        %dma_start3A_50 = tpu.memref_slice %arg2[%mul3A_45, %dma_start3A_49] : memref<10000x128xbf16, #tpu.memory_space<hbm>> -> memref<632x128xbf16, #tpu.memory_space<hbm>>
        tpu.enqueue_dma source(%dma_start3A_50 : memref<632x128xbf16, #tpu.memory_space<hbm>>) target(%dma_start3A_48 : memref<632x128xbf16, #tpu.memory_space<vmem_shared>>) target_semaphore(%run_scoped3A : memref<!tpu.dma_semaphore, #tpu.memory_space<semaphore_mem>>)
        %dma_wait3A = arith.constant 0 : i32
        %dma_wait3A_51 = tpu.memref_slice %arg11[%mul3A_47, %dma_wait3A] : memref<10112x128xbf16, #tpu.memory_space<vmem_shared>> -> memref<632x128xbf16, #tpu.memory_space<vmem_shared>>
        %dma_wait3A_52 = arith.constant 0 : i32
        %dma_wait3A_53 = tpu.memref_slice %arg2[%mul3A_45, %dma_wait3A_52] : memref<10000x128xbf16, #tpu.memory_space<hbm>> -> memref<632x128xbf16, #tpu.memory_space<hbm>>
        tpu.wait_dma2 semaphore(%run_scoped3A : memref<!tpu.dma_semaphore, #tpu.memory_space<semaphore_mem>>) src(%dma_wait3A_53 : memref<632x128xbf16, #tpu.memory_space<hbm>>) dst(%dma_wait3A_51 : memref<632x128xbf16, #tpu.memory_space<vmem_shared>>)
        tpu.yield
      }) : () -> ()
    } else {
    }
    %eq3A = arith.constant 15 : i32
    %eq3A_3 = arith.cmpi eq, %arg1, %eq3A : i32
    %convert_element_type3A_4 = arith.extui %eq3A_3 : i1 to i32
    %cond3A_5 = arith.constant 0 : i32
    %cond3A_6 = arith.cmpi ne, %convert_element_type3A_4, %cond3A_5 : i32
    scf.if %cond3A_6 {
      "tpu.region"() ({
        %run_scoped3A = tpu.sem_alloc : memref<!tpu.dma_semaphore, #tpu.memory_space<semaphore_mem>>
        %dma_start3A = arith.constant 9480 : i32
        %dma_start3A_44 = arith.constant 0 : i32
        %dma_start3A_45 = tpu.memref_slice %arg11[%dma_start3A, %dma_start3A_44] : memref<10112x128xbf16, #tpu.memory_space<vmem_shared>> -> memref<520x128xbf16, #tpu.memory_space<vmem_shared>>
        %dma_start3A_46 = arith.constant 9480 : i32
        %dma_start3A_47 = arith.constant 0 : i32
        %dma_start3A_48 = tpu.memref_slice %arg2[%dma_start3A_46, %dma_start3A_47] : memref<10000x128xbf16, #tpu.memory_space<hbm>> -> memref<520x128xbf16, #tpu.memory_space<hbm>>
        tpu.enqueue_dma source(%dma_start3A_48 : memref<520x128xbf16, #tpu.memory_space<hbm>>) target(%dma_start3A_45 : memref<520x128xbf16, #tpu.memory_space<vmem_shared>>) target_semaphore(%run_scoped3A : memref<!tpu.dma_semaphore, #tpu.memory_space<semaphore_mem>>)
        %dma_wait3A = arith.constant 9480 : i32
        %dma_wait3A_49 = arith.constant 0 : i32
        %dma_wait3A_50 = tpu.memref_slice %arg11[%dma_wait3A, %dma_wait3A_49] : memref<10112x128xbf16, #tpu.memory_space<vmem_shared>> -> memref<520x128xbf16, #tpu.memory_space<vmem_shared>>
        %dma_wait3A_51 = arith.constant 9480 : i32
        %dma_wait3A_52 = arith.constant 0 : i32
        %dma_wait3A_53 = tpu.memref_slice %arg2[%dma_wait3A_51, %dma_wait3A_52] : memref<10000x128xbf16, #tpu.memory_space<hbm>> -> memref<520x128xbf16, #tpu.memory_space<hbm>>
        tpu.wait_dma2 semaphore(%run_scoped3A : memref<!tpu.dma_semaphore, #tpu.memory_space<semaphore_mem>>) src(%dma_wait3A_53 : memref<520x128xbf16, #tpu.memory_space<hbm>>) dst(%dma_wait3A_50 : memref<520x128xbf16, #tpu.memory_space<vmem_shared>>)
        tpu.yield
      }) : () -> ()
    } else {
    }
    %broadcast_in_dim3A = arith.constant 0.000000e+00 : bf16
    %broadcast_in_dim3A_7 = vector.broadcast %broadcast_in_dim3A : bf16 to vector<32xbf16>
    %scan3A = arith.constant 0 : i32
    %scan3A_8 = arith.constant 0 : i32
    %scan3A_9 = arith.constant 128 : i32
    %scan3A_10 = arith.addi %scan3A_8, %scan3A_9 : i32
    %scan3A_11 = arith.constant 1 : i32
    scf.for %scan3A_44 = %scan3A_8 to %scan3A_10 step %scan3A_11  : i32 {
      %swap3A = arith.index_cast %scan3A_44 : i32 to index
      %swap3A_45 = arith.constant 0 : index
      %swap3A_46 = tpu.vector_load %arg8[%swap3A, %swap3A_45] {strides = array<i32>} : memref<128x128xbf16, #tpu.memory_space<vmem>>, vector<1x32xbf16>,
      %swap3A_47 = vector.shape_cast %swap3A_46 : vector<1x32xbf16> to vector<32xbf16>
      %swap3A_48 = vector.shape_cast %broadcast_in_dim3A_7 : vector<32xbf16> to vector<1x32xbf16>
      tpu.vector_store %arg8[%swap3A, %swap3A_45], %swap3A_48 {strides = array<i32>} : memref<128x128xbf16, #tpu.memory_space<vmem>>, vector<1x32xbf16>,
      %swap3A_49 = arith.index_cast %scan3A_44 : i32 to index
      %swap3A_50 = arith.constant 32 : index
      %swap3A_51 = tpu.vector_load %arg8[%swap3A_49, %swap3A_50] {strides = array<i32>} : memref<128x128xbf16, #tpu.memory_space<vmem>>, vector<1x32xbf16>,
      %swap3A_52 = vector.shape_cast %swap3A_51 : vector<1x32xbf16> to vector<32xbf16>
      %swap3A_53 = vector.shape_cast %broadcast_in_dim3A_7 : vector<32xbf16> to vector<1x32xbf16>
      tpu.vector_store %arg8[%swap3A_49, %swap3A_50], %swap3A_53 {strides = array<i32>} : memref<128x128xbf16, #tpu.memory_space<vmem>>, vector<1x32xbf16>,
      %swap3A_54 = arith.index_cast %scan3A_44 : i32 to index
      %swap3A_55 = arith.constant 64 : index
      %swap3A_56 = tpu.vector_load %arg8[%swap3A_54, %swap3A_55] {strides = array<i32>} : memref<128x128xbf16, #tpu.memory_space<vmem>>, vector<1x32xbf16>,
      %swap3A_57 = vector.shape_cast %swap3A_56 : vector<1x32xbf16> to vector<32xbf16>
      %swap3A_58 = vector.shape_cast %broadcast_in_dim3A_7 : vector<32xbf16> to vector<1x32xbf16>
      tpu.vector_store %arg8[%swap3A_54, %swap3A_55], %swap3A_58 {strides = array<i32>} : memref<128x128xbf16, #tpu.memory_space<vmem>>, vector<1x32xbf16>,
      %swap3A_59 = arith.index_cast %scan3A_44 : i32 to index
      %swap3A_60 = arith.constant 96 : index
      %swap3A_61 = tpu.vector_load %arg8[%swap3A_59, %swap3A_60] {strides = array<i32>} : memref<128x128xbf16, #tpu.memory_space<vmem>>, vector<1x32xbf16>,
      %swap3A_62 = vector.shape_cast %swap3A_61 : vector<1x32xbf16> to vector<32xbf16>
      %swap3A_63 = vector.shape_cast %broadcast_in_dim3A_7 : vector<32xbf16> to vector<1x32xbf16>
      tpu.vector_store %arg8[%swap3A_59, %swap3A_60], %swap3A_63 {strides = array<i32>} : memref<128x128xbf16, #tpu.memory_space<vmem>>, vector<1x32xbf16>,
    }
    %scan3A_12 = arith.constant 128 : i32
    %mul3A_13 = arith.constant 632 : i32
    %mul3A_14 = arith.muli %arg1, %mul3A_13 : i32
    %add3A_15 = arith.constant 0 : i32
    %add3A_16 = arith.addi %mul3A_14, %add3A_15 : i32
    "tpu.region"() ({
      %run_scoped3A = tpu.sem_alloc : memref<!tpu.dma_semaphore, #tpu.memory_space<semaphore_mem>>
      %dma_start3A = arith.constant 0 : i32
      %dma_start3A_44 = arith.constant 0 : i32
      %dma_start3A_45 = tpu.memref_slice %arg8[%dma_start3A, %dma_start3A_44] : memref<128x128xbf16, #tpu.memory_space<vmem>> -> memref<128x128xbf16, #tpu.memory_space<vmem>>
      %dma_start3A_46 = arith.constant 0 : i32
      %dma_start3A_47 = tpu.memref_slice %arg12[%add3A_16, %dma_start3A_46] : memref<10112x128xbf16, #tpu.memory_space<vmem_shared>> -> memref<128x128xbf16, #tpu.memory_space<vmem_shared>>
      %dma_start3A_48 = arith.constant 0 : i32
      %dma_start3A_49 = tpu.memref_slice %arg12[%add3A_16, %dma_start3A_48] : memref<10112x128xbf16, #tpu.memory_space<vmem_shared>> -> memref<128x128xbf16, #tpu.memory_space<vmem_shared>>
      %dma_start3A_50 = arith.constant 0 : i32
      %dma_start3A_51 = arith.constant 0 : i32
      %dma_start3A_52 = tpu.memref_slice %arg8[%dma_start3A_50, %dma_start3A_51] : memref<128x128xbf16, #tpu.memory_space<vmem>> -> memref<128x128xbf16, #tpu.memory_space<vmem>>
      tpu.enqueue_dma source(%dma_start3A_52 : memref<128x128xbf16, #tpu.memory_space<vmem>>) target(%dma_start3A_49 : memref<128x128xbf16, #tpu.memory_space<vmem_shared>>) target_semaphore(%run_scoped3A : memref<!tpu.dma_semaphore, #tpu.memory_space<semaphore_mem>>)
      %dma_wait3A = arith.constant 0 : i32
      %dma_wait3A_53 = arith.constant 0 : i32
      %dma_wait3A_54 = tpu.memref_slice %arg8[%dma_wait3A, %dma_wait3A_53] : memref<128x128xbf16, #tpu.memory_space<vmem>> -> memref<128x128xbf16, #tpu.memory_space<vmem>>
      %dma_wait3A_55 = arith.constant 0 : i32
      %dma_wait3A_56 = tpu.memref_slice %arg12[%add3A_16, %dma_wait3A_55] : memref<10112x128xbf16, #tpu.memory_space<vmem_shared>> -> memref<128x128xbf16, #tpu.memory_space<vmem_shared>>
      %dma_wait3A_57 = arith.constant 0 : i32
      %dma_wait3A_58 = tpu.memref_slice %arg12[%add3A_16, %dma_wait3A_57] : memref<10112x128xbf16, #tpu.memory_space<vmem_shared>> -> memref<128x128xbf16, #tpu.memory_space<vmem_shared>>
      %dma_wait3A_59 = arith.constant 0 : i32
      %dma_wait3A_60 = arith.constant 0 : i32
      %dma_wait3A_61 = tpu.memref_slice %arg8[%dma_wait3A_59, %dma_wait3A_60] : memref<128x128xbf16, #tpu.memory_space<vmem>> -> memref<128x128xbf16, #tpu.memory_space<vmem>>
      tpu.wait_dma2 semaphore(%run_scoped3A : memref<!tpu.dma_semaphore, #tpu.memory_space<semaphore_mem>>) src(%dma_wait3A_61 : memref<128x128xbf16, #tpu.memory_space<vmem>>) dst(%dma_wait3A_58 : memref<128x128xbf16, #tpu.memory_space<vmem_shared>>)
      tpu.yield
    }) : () -> ()
    %mul3A_17 = arith.constant 632 : i32
    %mul3A_18 = arith.muli %arg1, %mul3A_17 : i32
    %add3A_19 = arith.constant 128 : i32
    %add3A_20 = arith.addi %mul3A_18, %add3A_19 : i32
    "tpu.region"() ({
      %run_scoped3A = tpu.sem_alloc : memref<!tpu.dma_semaphore, #tpu.memory_space<semaphore_mem>>
      %dma_start3A = arith.constant 0 : i32
      %dma_start3A_44 = arith.constant 0 : i32
      %dma_start3A_45 = tpu.memref_slice %arg8[%dma_start3A, %dma_start3A_44] : memref<128x128xbf16, #tpu.memory_space<vmem>> -> memref<128x128xbf16, #tpu.memory_space<vmem>>
      %dma_start3A_46 = arith.constant 0 : i32
      %dma_start3A_47 = tpu.memref_slice %arg12[%add3A_20, %dma_start3A_46] : memref<10112x128xbf16, #tpu.memory_space<vmem_shared>> -> memref<128x128xbf16, #tpu.memory_space<vmem_shared>>
      %dma_start3A_48 = arith.constant 0 : i32
      %dma_start3A_49 = tpu.memref_slice %arg12[%add3A_20, %dma_start3A_48] : memref<10112x128xbf16, #tpu.memory_space<vmem_shared>> -> memref<128x128xbf16, #tpu.memory_space<vmem_shared>>
      %dma_start3A_50 = arith.constant 0 : i32
      %dma_start3A_51 = arith.constant 0 : i32
      %dma_start3A_52 = tpu.memref_slice %arg8[%dma_start3A_50, %dma_start3A_51] : memref<128x128xbf16, #tpu.memory_space<vmem>> -> memref<128x128xbf16, #tpu.memory_space<vmem>>
      tpu.enqueue_dma source(%dma_start3A_52 : memref<128x128xbf16, #tpu.memory_space<vmem>>) target(%dma_start3A_49 : memref<128x128xbf16, #tpu.memory_space<vmem_shared>>) target_semaphore(%run_scoped3A : memref<!tpu.dma_semaphore, #tpu.memory_space<semaphore_mem>>)
      %dma_wait3A = arith.constant 0 : i32
      %dma_wait3A_53 = arith.constant 0 : i32
      %dma_wait3A_54 = tpu.memref_slice %arg8[%dma_wait3A, %dma_wait3A_53] : memref<128x128xbf16, #tpu.memory_space<vmem>> -> memref<128x128xbf16, #tpu.memory_space<vmem>>
      %dma_wait3A_55 = arith.constant 0 : i32
      %dma_wait3A_56 = tpu.memref_slice %arg12[%add3A_20, %dma_wait3A_55] : memref<10112x128xbf16, #tpu.memory_space<vmem_shared>> -> memref<128x128xbf16, #tpu.memory_space<vmem_shared>>
      %dma_wait3A_57 = arith.constant 0 : i32
      %dma_wait3A_58 = tpu.memref_slice %arg12[%add3A_20, %dma_wait3A_57] : memref<10112x128xbf16, #tpu.memory_space<vmem_shared>> -> memref<128x128xbf16, #tpu.memory_space<vmem_shared>>
      %dma_wait3A_59 = arith.constant 0 : i32
      %dma_wait3A_60 = arith.constant 0 : i32
      %dma_wait3A_61 = tpu.memref_slice %arg8[%dma_wait3A_59, %dma_wait3A_60] : memref<128x128xbf16, #tpu.memory_space<vmem>> -> memref<128x128xbf16, #tpu.memory_space<vmem>>
      tpu.wait_dma2 semaphore(%run_scoped3A : memref<!tpu.dma_semaphore, #tpu.memory_space<semaphore_mem>>) src(%dma_wait3A_61 : memref<128x128xbf16, #tpu.memory_space<vmem>>) dst(%dma_wait3A_58 : memref<128x128xbf16, #tpu.memory_space<vmem_shared>>)
      tpu.yield
    }) : () -> ()
    %mul3A_21 = arith.constant 632 : i32
    %mul3A_22 = arith.muli %arg1, %mul3A_21 : i32
    %add3A_23 = arith.constant 256 : i32
    %add3A_24 = arith.addi %mul3A_22, %add3A_23 : i32
    "tpu.region"() ({
      %run_scoped3A = tpu.sem_alloc : memref<!tpu.dma_semaphore, #tpu.memory_space<semaphore_mem>>
      %dma_start3A = arith.constant 0 : i32
      %dma_start3A_44 = arith.constant 0 : i32
      %dma_start3A_45 = tpu.memref_slice %arg8[%dma_start3A, %dma_start3A_44] : memref<128x128xbf16, #tpu.memory_space<vmem>> -> memref<128x128xbf16, #tpu.memory_space<vmem>>
      %dma_start3A_46 = arith.constant 0 : i32
      %dma_start3A_47 = tpu.memref_slice %arg12[%add3A_24, %dma_start3A_46] : memref<10112x128xbf16, #tpu.memory_space<vmem_shared>> -> memref<128x128xbf16, #tpu.memory_space<vmem_shared>>
      %dma_start3A_48 = arith.constant 0 : i32
      %dma_start3A_49 = tpu.memref_slice %arg12[%add3A_24, %dma_start3A_48] : memref<10112x128xbf16, #tpu.memory_space<vmem_shared>> -> memref<128x128xbf16, #tpu.memory_space<vmem_shared>>
      %dma_start3A_50 = arith.constant 0 : i32
      %dma_start3A_51 = arith.constant 0 : i32
      %dma_start3A_52 = tpu.memref_slice %arg8[%dma_start3A_50, %dma_start3A_51] : memref<128x128xbf16, #tpu.memory_space<vmem>> -> memref<128x128xbf16, #tpu.memory_space<vmem>>
      tpu.enqueue_dma source(%dma_start3A_52 : memref<128x128xbf16, #tpu.memory_space<vmem>>) target(%dma_start3A_49 : memref<128x128xbf16, #tpu.memory_space<vmem_shared>>) target_semaphore(%run_scoped3A : memref<!tpu.dma_semaphore, #tpu.memory_space<semaphore_mem>>)
      %dma_wait3A = arith.constant 0 : i32
      %dma_wait3A_53 = arith.constant 0 : i32
      %dma_wait3A_54 = tpu.memref_slice %arg8[%dma_wait3A, %dma_wait3A_53] : memref<128x128xbf16, #tpu.memory_space<vmem>> -> memref<128x128xbf16, #tpu.memory_space<vmem>>
      %dma_wait3A_55 = arith.constant 0 : i32
      %dma_wait3A_56 = tpu.memref_slice %arg12[%add3A_24, %dma_wait3A_55] : memref<10112x128xbf16, #tpu.memory_space<vmem_shared>> -> memref<128x128xbf16, #tpu.memory_space<vmem_shared>>
      %dma_wait3A_57 = arith.constant 0 : i32
      %dma_wait3A_58 = tpu.memref_slice %arg12[%add3A_24, %dma_wait3A_57] : memref<10112x128xbf16, #tpu.memory_space<vmem_shared>> -> memref<128x128xbf16, #tpu.memory_space<vmem_shared>>
      %dma_wait3A_59 = arith.constant 0 : i32
      %dma_wait3A_60 = arith.constant 0 : i32
      %dma_wait3A_61 = tpu.memref_slice %arg8[%dma_wait3A_59, %dma_wait3A_60] : memref<128x128xbf16, #tpu.memory_space<vmem>> -> memref<128x128xbf16, #tpu.memory_space<vmem>>
      tpu.wait_dma2 semaphore(%run_scoped3A : memref<!tpu.dma_semaphore, #tpu.memory_space<semaphore_mem>>) src(%dma_wait3A_61 : memref<128x128xbf16, #tpu.memory_space<vmem>>) dst(%dma_wait3A_58 : memref<128x128xbf16, #tpu.memory_space<vmem_shared>>)
      tpu.yield
    }) : () -> ()
    %mul3A_25 = arith.constant 632 : i32
    %mul3A_26 = arith.muli %arg1, %mul3A_25 : i32
    %add3A_27 = arith.constant 384 : i32
    %add3A_28 = arith.addi %mul3A_26, %add3A_27 : i32
    "tpu.region"() ({
      %run_scoped3A = tpu.sem_alloc : memref<!tpu.dma_semaphore, #tpu.memory_space<semaphore_mem>>
      %dma_start3A = arith.constant 0 : i32
      %dma_start3A_44 = arith.constant 0 : i32
      %dma_start3A_45 = tpu.memref_slice %arg8[%dma_start3A, %dma_start3A_44] : memref<128x128xbf16, #tpu.memory_space<vmem>> -> memref<128x128xbf16, #tpu.memory_space<vmem>>
      %dma_start3A_46 = arith.constant 0 : i32
      %dma_start3A_47 = tpu.memref_slice %arg12[%add3A_28, %dma_start3A_46] : memref<10112x128xbf16, #tpu.memory_space<vmem_shared>> -> memref<128x128xbf16, #tpu.memory_space<vmem_shared>>
      %dma_start3A_48 = arith.constant 0 : i32
      %dma_start3A_49 = tpu.memref_slice %arg12[%add3A_28, %dma_start3A_48] : memref<10112x128xbf16, #tpu.memory_space<vmem_shared>> -> memref<128x128xbf16, #tpu.memory_space<vmem_shared>>
      %dma_start3A_50 = arith.constant 0 : i32
      %dma_start3A_51 = arith.constant 0 : i32
      %dma_start3A_52 = tpu.memref_slice %arg8[%dma_start3A_50, %dma_start3A_51] : memref<128x128xbf16, #tpu.memory_space<vmem>> -> memref<128x128xbf16, #tpu.memory_space<vmem>>
      tpu.enqueue_dma source(%dma_start3A_52 : memref<128x128xbf16, #tpu.memory_space<vmem>>) target(%dma_start3A_49 : memref<128x128xbf16, #tpu.memory_space<vmem_shared>>) target_semaphore(%run_scoped3A : memref<!tpu.dma_semaphore, #tpu.memory_space<semaphore_mem>>)
      %dma_wait3A = arith.constant 0 : i32
      %dma_wait3A_53 = arith.constant 0 : i32
      %dma_wait3A_54 = tpu.memref_slice %arg8[%dma_wait3A, %dma_wait3A_53] : memref<128x128xbf16, #tpu.memory_space<vmem>> -> memref<128x128xbf16, #tpu.memory_space<vmem>>
      %dma_wait3A_55 = arith.constant 0 : i32
      %dma_wait3A_56 = tpu.memref_slice %arg12[%add3A_28, %dma_wait3A_55] : memref<10112x128xbf16, #tpu.memory_space<vmem_shared>> -> memref<128x128xbf16, #tpu.memory_space<vmem_shared>>
      %dma_wait3A_57 = arith.constant 0 : i32
      %dma_wait3A_58 = tpu.memref_slice %arg12[%add3A_28, %dma_wait3A_57] : memref<10112x128xbf16, #tpu.memory_space<vmem_shared>> -> memref<128x128xbf16, #tpu.memory_space<vmem_shared>>
      %dma_wait3A_59 = arith.constant 0 : i32
      %dma_wait3A_60 = arith.constant 0 : i32
      %dma_wait3A_61 = tpu.memref_slice %arg8[%dma_wait3A_59, %dma_wait3A_60] : memref<128x128xbf16, #tpu.memory_space<vmem>> -> memref<128x128xbf16, #tpu.memory_space<vmem>>
      tpu.wait_dma2 semaphore(%run_scoped3A : memref<!tpu.dma_semaphore, #tpu.memory_space<semaphore_mem>>) src(%dma_wait3A_61 : memref<128x128xbf16, #tpu.memory_space<vmem>>) dst(%dma_wait3A_58 : memref<128x128xbf16, #tpu.memory_space<vmem_shared>>)
      tpu.yield
    }) : () -> ()
    %mul3A_29 = arith.constant 632 : i32
    %mul3A_30 = arith.muli %arg1, %mul3A_29 : i32
    %add3A_31 = arith.constant 512 : i32
    %add3A_32 = arith.addi %mul3A_30, %add3A_31 : i32
    "tpu.region"() ({
      %run_scoped3A = tpu.sem_alloc : memref<!tpu.dma_semaphore, #tpu.memory_space<semaphore_mem>>
      %dma_start3A = arith.constant 0 : i32
      %dma_start3A_44 = arith.constant 0 : i32
      %dma_start3A_45 = tpu.memref_slice %arg8[%dma_start3A, %dma_start3A_44] : memref<128x128xbf16, #tpu.memory_space<vmem>> -> memref<120x128xbf16, #tpu.memory_space<vmem>>
      %dma_start3A_46 = arith.constant 0 : i32
      %dma_start3A_47 = tpu.memref_slice %arg12[%add3A_32, %dma_start3A_46] : memref<10112x128xbf16, #tpu.memory_space<vmem_shared>> -> memref<120x128xbf16, #tpu.memory_space<vmem_shared>>
      %dma_start3A_48 = arith.constant 0 : i32
      %dma_start3A_49 = tpu.memref_slice %arg12[%add3A_32, %dma_start3A_48] : memref<10112x128xbf16, #tpu.memory_space<vmem_shared>> -> memref<120x128xbf16, #tpu.memory_space<vmem_shared>>
      %dma_start3A_50 = arith.constant 0 : i32
      %dma_start3A_51 = arith.constant 0 : i32
      %dma_start3A_52 = tpu.memref_slice %arg8[%dma_start3A_50, %dma_start3A_51] : memref<128x128xbf16, #tpu.memory_space<vmem>> -> memref<120x128xbf16, #tpu.memory_space<vmem>>
      tpu.enqueue_dma source(%dma_start3A_52 : memref<120x128xbf16, #tpu.memory_space<vmem>>) target(%dma_start3A_49 : memref<120x128xbf16, #tpu.memory_space<vmem_shared>>) target_semaphore(%run_scoped3A : memref<!tpu.dma_semaphore, #tpu.memory_space<semaphore_mem>>)
      %dma_wait3A = arith.constant 0 : i32
      %dma_wait3A_53 = arith.constant 0 : i32
      %dma_wait3A_54 = tpu.memref_slice %arg8[%dma_wait3A, %dma_wait3A_53] : memref<128x128xbf16, #tpu.memory_space<vmem>> -> memref<120x128xbf16, #tpu.memory_space<vmem>>
      %dma_wait3A_55 = arith.constant 0 : i32
      %dma_wait3A_56 = tpu.memref_slice %arg12[%add3A_32, %dma_wait3A_55] : memref<10112x128xbf16, #tpu.memory_space<vmem_shared>> -> memref<120x128xbf16, #tpu.memory_space<vmem_shared>>
      %dma_wait3A_57 = arith.constant 0 : i32
      %dma_wait3A_58 = tpu.memref_slice %arg12[%add3A_32, %dma_wait3A_57] : memref<10112x128xbf16, #tpu.memory_space<vmem_shared>> -> memref<120x128xbf16, #tpu.memory_space<vmem_shared>>
      %dma_wait3A_59 = arith.constant 0 : i32
      %dma_wait3A_60 = arith.constant 0 : i32
      %dma_wait3A_61 = tpu.memref_slice %arg8[%dma_wait3A_59, %dma_wait3A_60] : memref<128x128xbf16, #tpu.memory_space<vmem>> -> memref<120x128xbf16, #tpu.memory_space<vmem>>
      tpu.wait_dma2 semaphore(%run_scoped3A : memref<!tpu.dma_semaphore, #tpu.memory_space<semaphore_mem>>) src(%dma_wait3A_61 : memref<120x128xbf16, #tpu.memory_space<vmem>>) dst(%dma_wait3A_58 : memref<120x128xbf16, #tpu.memory_space<vmem_shared>>)
      tpu.yield
    }) : () -> ()
    %barrier3A = arith.constant 0 : index
    tpu.barrier barrier_id(%barrier3A)
    %scan3A_33 = arith.constant 0 : i32
    %scan3A_34 = arith.constant 0 : i32
    %scan3A_35 = arith.constant 27 : i32
    %scan3A_36 = arith.addi %scan3A_34, %scan3A_35 : i32
    %scan3A_37 = arith.constant 1 : i32
    scf.for %scan3A_44 = %scan3A_34 to %scan3A_36 step %scan3A_37  : i32 {
      %mul3A_45 = arith.constant 3 : i32
      %mul3A_46 = arith.muli %mul3A_45, %scan3A_44 : i32
      %add3A_47 = arith.constant 0 : i32
      %add3A_48 = arith.addi %mul3A_46, %add3A_47 : i32
      %dma_start3A = arith.constant 0 : i32
      %dma_start3A_49 = tpu.memref_slice %arg6[%add3A_48, %dma_start3A] : memref<81x128xi32, #tpu.memory_space<vmem>> -> memref<1x128xi32, #tpu.memory_space<vmem>>
      %dma_start3A_50 = tpu.memref_squeeze %dma_start3A_49 : memref<1x128xi32, #tpu.memory_space<vmem>> -> memref<128xi32, #tpu.memory_space<vmem>>
      %dma_start3A_51 = arith.constant 0 : i32
      %dma_start3A_52 = arith.constant 0 : i32
      %dma_start3A_53 = tpu.memref_slice %arg11[%dma_start3A_51, %dma_start3A_52] : memref<10112x128xbf16, #tpu.memory_space<vmem_shared>> -> memref<10112x128xbf16, #tpu.memory_space<vmem_shared>>
      tpu.enqueue_indirect_dma source(%dma_start3A_53 : memref<10112x128xbf16, #tpu.memory_space<vmem_shared>>) target(%arg8 : memref<128x128xbf16, #tpu.memory_space<vmem>>) offsets(%dma_start3A_50 : memref<128xi32, #tpu.memory_space<vmem>>) semaphore(%arg13 : memref<!tpu.dma_semaphore, #tpu.memory_space<semaphore_mem>>)
      %mul3A_54 = arith.constant 3 : i32
      %mul3A_55 = arith.muli %mul3A_54, %scan3A_44 : i32
      %add3A_56 = arith.constant 1 : i32
      %add3A_57 = arith.addi %mul3A_55, %add3A_56 : i32
      %dma_start3A_58 = arith.constant 0 : i32
      %dma_start3A_59 = tpu.memref_slice %arg6[%add3A_57, %dma_start3A_58] : memref<81x128xi32, #tpu.memory_space<vmem>> -> memref<1x128xi32, #tpu.memory_space<vmem>>
      %dma_start3A_60 = tpu.memref_squeeze %dma_start3A_59 : memref<1x128xi32, #tpu.memory_space<vmem>> -> memref<128xi32, #tpu.memory_space<vmem>>
      %dma_start3A_61 = arith.constant 0 : i32
      %dma_start3A_62 = arith.constant 0 : i32
      %dma_start3A_63 = tpu.memref_slice %arg11[%dma_start3A_61, %dma_start3A_62] : memref<10112x128xbf16, #tpu.memory_space<vmem_shared>> -> memref<10112x128xbf16, #tpu.memory_space<vmem_shared>>
      tpu.enqueue_indirect_dma source(%dma_start3A_63 : memref<10112x128xbf16, #tpu.memory_space<vmem_shared>>) target(%arg9 : memref<128x128xbf16, #tpu.memory_space<vmem>>) offsets(%dma_start3A_60 : memref<128xi32, #tpu.memory_space<vmem>>) semaphore(%arg14 : memref<!tpu.dma_semaphore, #tpu.memory_space<semaphore_mem>>)
      %mul3A_64 = arith.constant 3 : i32
      %mul3A_65 = arith.muli %mul3A_64, %scan3A_44 : i32
      %add3A_66 = arith.constant 2 : i32
      %add3A_67 = arith.addi %mul3A_65, %add3A_66 : i32
      %dma_start3A_68 = arith.constant 0 : i32
      %dma_start3A_69 = tpu.memref_slice %arg6[%add3A_67, %dma_start3A_68] : memref<81x128xi32, #tpu.memory_space<vmem>> -> memref<1x128xi32, #tpu.memory_space<vmem>>
      %dma_start3A_70 = tpu.memref_squeeze %dma_start3A_69 : memref<1x128xi32, #tpu.memory_space<vmem>> -> memref<128xi32, #tpu.memory_space<vmem>>
      %dma_start3A_71 = arith.constant 0 : i32
      %dma_start3A_72 = arith.constant 0 : i32
      %dma_start3A_73 = tpu.memref_slice %arg11[%dma_start3A_71, %dma_start3A_72] : memref<10112x128xbf16, #tpu.memory_space<vmem_shared>> -> memref<10112x128xbf16, #tpu.memory_space<vmem_shared>>
      tpu.enqueue_indirect_dma source(%dma_start3A_73 : memref<10112x128xbf16, #tpu.memory_space<vmem_shared>>) target(%arg10 : memref<128x128xbf16, #tpu.memory_space<vmem>>) offsets(%dma_start3A_70 : memref<128xi32, #tpu.memory_space<vmem>>) semaphore(%arg15 : memref<!tpu.dma_semaphore, #tpu.memory_space<semaphore_mem>>)
      %dma_wait3A = arith.constant 0 : i32
      %dma_wait3A_74 = tpu.memref_slice %arg6[%add3A_48, %dma_wait3A] : memref<81x128xi32, #tpu.memory_space<vmem>> -> memref<1x128xi32, #tpu.memory_space<vmem>>
      %dma_wait3A_75 = tpu.memref_squeeze %dma_wait3A_74 : memref<1x128xi32, #tpu.memory_space<vmem>> -> memref<128xi32, #tpu.memory_space<vmem>>
      %dma_wait3A_76 = arith.constant 0 : i32
      %dma_wait3A_77 = arith.constant 0 : i32
      %dma_wait3A_78 = tpu.memref_slice %arg11[%dma_wait3A_76, %dma_wait3A_77] : memref<10112x128xbf16, #tpu.memory_space<vmem_shared>> -> memref<10112x128xbf16, #tpu.memory_space<vmem_shared>>
      tpu.wait_indirect_dma semaphore(%arg13 : memref<!tpu.dma_semaphore, #tpu.memory_space<semaphore_mem>>) src(%dma_wait3A_78 : memref<10112x128xbf16, #tpu.memory_space<vmem_shared>>) dst(%arg8 : memref<128x128xbf16, #tpu.memory_space<vmem>>)
      %mul3A_79 = arith.constant 3 : i32
      %mul3A_80 = arith.muli %mul3A_79, %scan3A_44 : i32
      %add3A_81 = arith.constant 0 : i32
      %add3A_82 = arith.addi %mul3A_80, %add3A_81 : i32
      "tpu.region"() ({
        %run_scoped3A = tpu.sem_alloc : memref<!tpu.dma_semaphore, #tpu.memory_space<semaphore_mem>>
        %dma_start3A_103 = arith.constant 0 : i32
        %dma_start3A_104 = tpu.memref_slice %arg7[%add3A_82, %dma_start3A_103] : memref<81x128xi32, #tpu.memory_space<vmem>> -> memref<1x128xi32, #tpu.memory_space<vmem>>
        %dma_start3A_105 = tpu.memref_squeeze %dma_start3A_104 : memref<1x128xi32, #tpu.memory_space<vmem>> -> memref<128xi32, #tpu.memory_space<vmem>>
        %dma_start3A_106 = arith.constant 0 : i32
        %dma_start3A_107 = arith.constant 0 : i32
        %dma_start3A_108 = tpu.memref_slice %arg12[%dma_start3A_106, %dma_start3A_107] : memref<10112x128xbf16, #tpu.memory_space<vmem_shared>> -> memref<10112x128xbf16, #tpu.memory_space<vmem_shared>>
        tpu.enqueue_indirect_dma source(%arg8 : memref<128x128xbf16, #tpu.memory_space<vmem>>) target(%dma_start3A_108 : memref<10112x128xbf16, #tpu.memory_space<vmem_shared>>) offsets(%dma_start3A_105 : memref<128xi32, #tpu.memory_space<vmem>>) semaphore(%run_scoped3A : memref<!tpu.dma_semaphore, #tpu.memory_space<semaphore_mem>>) {add = true}
        %dma_wait3A_109 = arith.constant 0 : i32
        %dma_wait3A_110 = tpu.memref_slice %arg7[%add3A_82, %dma_wait3A_109] : memref<81x128xi32, #tpu.memory_space<vmem>> -> memref<1x128xi32, #tpu.memory_space<vmem>>
        %dma_wait3A_111 = tpu.memref_squeeze %dma_wait3A_110 : memref<1x128xi32, #tpu.memory_space<vmem>> -> memref<128xi32, #tpu.memory_space<vmem>>
        %dma_wait3A_112 = arith.constant 0 : i32
        %dma_wait3A_113 = arith.constant 0 : i32
        %dma_wait3A_114 = tpu.memref_slice %arg12[%dma_wait3A_112, %dma_wait3A_113] : memref<10112x128xbf16, #tpu.memory_space<vmem_shared>> -> memref<10112x128xbf16, #tpu.memory_space<vmem_shared>>
        tpu.wait_indirect_dma semaphore(%run_scoped3A : memref<!tpu.dma_semaphore, #tpu.memory_space<semaphore_mem>>) src(%arg8 : memref<128x128xbf16, #tpu.memory_space<vmem>>) dst(%dma_wait3A_114 : memref<10112x128xbf16, #tpu.memory_space<vmem_shared>>)
        tpu.yield
      }) : () -> ()
      %dma_wait3A_83 = arith.constant 0 : i32
      %dma_wait3A_84 = tpu.memref_slice %arg6[%add3A_57, %dma_wait3A_83] : memref<81x128xi32, #tpu.memory_space<vmem>> -> memref<1x128xi32, #tpu.memory_space<vmem>>
      %dma_wait3A_85 = tpu.memref_squeeze %dma_wait3A_84 : memref<1x128xi32, #tpu.memory_space<vmem>> -> memref<128xi32, #tpu.memory_space<vmem>>
      %dma_wait3A_86 = arith.constant 0 : i32
      %dma_wait3A_87 = arith.constant 0 : i32
      %dma_wait3A_88 = tpu.memref_slice %arg11[%dma_wait3A_86, %dma_wait3A_87] : memref<10112x128xbf16, #tpu.memory_space<vmem_shared>> -> memref<10112x128xbf16, #tpu.memory_space<vmem_shared>>
      tpu.wait_indirect_dma semaphore(%arg14 : memref<!tpu.dma_semaphore, #tpu.memory_space<semaphore_mem>>) src(%dma_wait3A_88 : memref<10112x128xbf16, #tpu.memory_space<vmem_shared>>) dst(%arg9 : memref<128x128xbf16, #tpu.memory_space<vmem>>)
      %mul3A_89 = arith.constant 3 : i32
      %mul3A_90 = arith.muli %mul3A_89, %scan3A_44 : i32
      %add3A_91 = arith.constant 1 : i32
      %add3A_92 = arith.addi %mul3A_90, %add3A_91 : i32
      "tpu.region"() ({
        %run_scoped3A = tpu.sem_alloc : memref<!tpu.dma_semaphore, #tpu.memory_space<semaphore_mem>>
        %dma_start3A_103 = arith.constant 0 : i32
        %dma_start3A_104 = tpu.memref_slice %arg7[%add3A_92, %dma_start3A_103] : memref<81x128xi32, #tpu.memory_space<vmem>> -> memref<1x128xi32, #tpu.memory_space<vmem>>
        %dma_start3A_105 = tpu.memref_squeeze %dma_start3A_104 : memref<1x128xi32, #tpu.memory_space<vmem>> -> memref<128xi32, #tpu.memory_space<vmem>>
        %dma_start3A_106 = arith.constant 0 : i32
        %dma_start3A_107 = arith.constant 0 : i32
        %dma_start3A_108 = tpu.memref_slice %arg12[%dma_start3A_106, %dma_start3A_107] : memref<10112x128xbf16, #tpu.memory_space<vmem_shared>> -> memref<10112x128xbf16, #tpu.memory_space<vmem_shared>>
        tpu.enqueue_indirect_dma source(%arg9 : memref<128x128xbf16, #tpu.memory_space<vmem>>) target(%dma_start3A_108 : memref<10112x128xbf16, #tpu.memory_space<vmem_shared>>) offsets(%dma_start3A_105 : memref<128xi32, #tpu.memory_space<vmem>>) semaphore(%run_scoped3A : memref<!tpu.dma_semaphore, #tpu.memory_space<semaphore_mem>>) {add = true}
        %dma_wait3A_109 = arith.constant 0 : i32
        %dma_wait3A_110 = tpu.memref_slice %arg7[%add3A_92, %dma_wait3A_109] : memref<81x128xi32, #tpu.memory_space<vmem>> -> memref<1x128xi32, #tpu.memory_space<vmem>>
        %dma_wait3A_111 = tpu.memref_squeeze %dma_wait3A_110 : memref<1x128xi32, #tpu.memory_space<vmem>> -> memref<128xi32, #tpu.memory_space<vmem>>
        %dma_wait3A_112 = arith.constant 0 : i32
        %dma_wait3A_113 = arith.constant 0 : i32
        %dma_wait3A_114 = tpu.memref_slice %arg12[%dma_wait3A_112, %dma_wait3A_113] : memref<10112x128xbf16, #tpu.memory_space<vmem_shared>> -> memref<10112x128xbf16, #tpu.memory_space<vmem_shared>>
        tpu.wait_indirect_dma semaphore(%run_scoped3A : memref<!tpu.dma_semaphore, #tpu.memory_space<semaphore_mem>>) src(%arg9 : memref<128x128xbf16, #tpu.memory_space<vmem>>) dst(%dma_wait3A_114 : memref<10112x128xbf16, #tpu.memory_space<vmem_shared>>)
        tpu.yield
      }) : () -> ()
      %dma_wait3A_93 = arith.constant 0 : i32
      %dma_wait3A_94 = tpu.memref_slice %arg6[%add3A_67, %dma_wait3A_93] : memref<81x128xi32, #tpu.memory_space<vmem>> -> memref<1x128xi32, #tpu.memory_space<vmem>>
      %dma_wait3A_95 = tpu.memref_squeeze %dma_wait3A_94 : memref<1x128xi32, #tpu.memory_space<vmem>> -> memref<128xi32, #tpu.memory_space<vmem>>
      %dma_wait3A_96 = arith.constant 0 : i32
      %dma_wait3A_97 = arith.constant 0 : i32
      %dma_wait3A_98 = tpu.memref_slice %arg11[%dma_wait3A_96, %dma_wait3A_97] : memref<10112x128xbf16, #tpu.memory_space<vmem_shared>> -> memref<10112x128xbf16, #tpu.memory_space<vmem_shared>>
      tpu.wait_indirect_dma semaphore(%arg15 : memref<!tpu.dma_semaphore, #tpu.memory_space<semaphore_mem>>) src(%dma_wait3A_98 : memref<10112x128xbf16, #tpu.memory_space<vmem_shared>>) dst(%arg10 : memref<128x128xbf16, #tpu.memory_space<vmem>>)
      %mul3A_99 = arith.constant 3 : i32
      %mul3A_100 = arith.muli %mul3A_99, %scan3A_44 : i32
      %add3A_101 = arith.constant 2 : i32
      %add3A_102 = arith.addi %mul3A_100, %add3A_101 : i32
      "tpu.region"() ({
        %run_scoped3A = tpu.sem_alloc : memref<!tpu.dma_semaphore, #tpu.memory_space<semaphore_mem>>
        %dma_start3A_103 = arith.constant 0 : i32
        %dma_start3A_104 = tpu.memref_slice %arg7[%add3A_102, %dma_start3A_103] : memref<81x128xi32, #tpu.memory_space<vmem>> -> memref<1x128xi32, #tpu.memory_space<vmem>>
        %dma_start3A_105 = tpu.memref_squeeze %dma_start3A_104 : memref<1x128xi32, #tpu.memory_space<vmem>> -> memref<128xi32, #tpu.memory_space<vmem>>
        %dma_start3A_106 = arith.constant 0 : i32
        %dma_start3A_107 = arith.constant 0 : i32
        %dma_start3A_108 = tpu.memref_slice %arg12[%dma_start3A_106, %dma_start3A_107] : memref<10112x128xbf16, #tpu.memory_space<vmem_shared>> -> memref<10112x128xbf16, #tpu.memory_space<vmem_shared>>
        tpu.enqueue_indirect_dma source(%arg10 : memref<128x128xbf16, #tpu.memory_space<vmem>>) target(%dma_start3A_108 : memref<10112x128xbf16, #tpu.memory_space<vmem_shared>>) offsets(%dma_start3A_105 : memref<128xi32, #tpu.memory_space<vmem>>) semaphore(%run_scoped3A : memref<!tpu.dma_semaphore, #tpu.memory_space<semaphore_mem>>) {add = true}
        %dma_wait3A_109 = arith.constant 0 : i32
        %dma_wait3A_110 = tpu.memref_slice %arg7[%add3A_102, %dma_wait3A_109] : memref<81x128xi32, #tpu.memory_space<vmem>> -> memref<1x128xi32, #tpu.memory_space<vmem>>
        %dma_wait3A_111 = tpu.memref_squeeze %dma_wait3A_110 : memref<1x128xi32, #tpu.memory_space<vmem>> -> memref<128xi32, #tpu.memory_space<vmem>>
        %dma_wait3A_112 = arith.constant 0 : i32
        %dma_wait3A_113 = arith.constant 0 : i32
        %dma_wait3A_114 = tpu.memref_slice %arg12[%dma_wait3A_112, %dma_wait3A_113] : memref<10112x128xbf16, #tpu.memory_space<vmem_shared>> -> memref<10112x128xbf16, #tpu.memory_space<vmem_shared>>
        tpu.wait_indirect_dma semaphore(%run_scoped3A : memref<!tpu.dma_semaphore, #tpu.memory_space<semaphore_mem>>) src(%arg10 : memref<128x128xbf16, #tpu.memory_space<vmem>>) dst(%dma_wait3A_114 : memref<10112x128xbf16, #tpu.memory_space<vmem_shared>>)
        tpu.yield
      }) : () -> ()
    }
    %scan3A_38 = arith.constant 27 : i32
    %barrier3A_39 = arith.constant 0 : index
    tpu.barrier barrier_id(%barrier3A_39)
    %mul3A_40 = arith.constant 632 : i32
    %mul3A_41 = arith.muli %arg1, %mul3A_40 : i32
    %mul3A_42 = arith.constant 632 : i32
    %mul3A_43 = arith.muli %arg1, %mul3A_42 : i32
    "tpu.region"() ({
      %run_scoped3A = tpu.sem_alloc : memref<!tpu.dma_semaphore, #tpu.memory_space<semaphore_mem>>
      %dma_start3A = arith.constant 0 : i32
      %dma_start3A_44 = tpu.memref_slice %arg5[%arg0, %mul3A_43, %dma_start3A] : memref<2x10112x128xbf16, #tpu.memory_space<hbm>> -> memref<1x632x128xbf16, #tpu.memory_space<hbm>>
      %dma_start3A_45 = tpu.memref_squeeze %dma_start3A_44 : memref<1x632x128xbf16, #tpu.memory_space<hbm>> -> memref<632x128xbf16, #tpu.memory_space<hbm>>
      %dma_start3A_46 = arith.constant 0 : i32
      %dma_start3A_47 = tpu.memref_slice %arg12[%mul3A_41, %dma_start3A_46] : memref<10112x128xbf16, #tpu.memory_space<vmem_shared>> -> memref<632x128xbf16, #tpu.memory_space<vmem_shared>>
      tpu.enqueue_dma source(%dma_start3A_47 : memref<632x128xbf16, #tpu.memory_space<vmem_shared>>) target(%dma_start3A_45 : memref<632x128xbf16, #tpu.memory_space<hbm>>) target_semaphore(%run_scoped3A : memref<!tpu.dma_semaphore, #tpu.memory_space<semaphore_mem>>)
      %dma_wait3A = arith.constant 0 : i32
      %dma_wait3A_48 = tpu.memref_slice %arg5[%arg0, %mul3A_43, %dma_wait3A] : memref<2x10112x128xbf16, #tpu.memory_space<hbm>> -> memref<1x632x128xbf16, #tpu.memory_space<hbm>>
      %dma_wait3A_49 = tpu.memref_squeeze %dma_wait3A_48 : memref<1x632x128xbf16, #tpu.memory_space<hbm>> -> memref<632x128xbf16, #tpu.memory_space<hbm>>
      %dma_wait3A_50 = arith.constant 0 : i32
      %dma_wait3A_51 = tpu.memref_slice %arg12[%mul3A_41, %dma_wait3A_50] : memref<10112x128xbf16, #tpu.memory_space<vmem_shared>> -> memref<632x128xbf16, #tpu.memory_space<vmem_shared>>
      tpu.wait_dma2 semaphore(%run_scoped3A : memref<!tpu.dma_semaphore, #tpu.memory_space<semaphore_mem>>) src(%dma_wait3A_51 : memref<632x128xbf16, #tpu.memory_space<vmem_shared>>) dst(%dma_wait3A_49 : memref<632x128xbf16, #tpu.memory_space<hbm>>)
      tpu.yield
    }) : () -> ()
    return
  }
}

module attributes {stable_mosaic.version = 14 : i64} {
  func.func @_prescale_body(%arg0: i32, %arg1: memref<1000x128xf32, #tpu.memory_space<vmem>>, %arg2: memref<1000x1xf32, #tpu.memory_space<vmem>>, %arg3: memref<1000x128xbf16, #tpu.memory_space<vmem>>) attributes {dimension_semantics = [#tpu.dimension_semantics<arbitrary>], iteration_bounds = array<i64: 10>, scalar_prefetch = 0 : i64, scratch_operands = 0 : i64, tpu.core_type = #tpu.core_type<tc>, window_params = [{transform_indices = @transform_0, window_bounds = array<i64: 1000, 128>}, {transform_indices = @transform_1, window_bounds = array<i64: 1000, 1>}, {transform_indices = @transform_2, window_bounds = array<i64: 1000, 128>}]} {
    %get3A = arith.constant 0 : index
    %get3A_0 = arith.constant 0 : index
    %get3A_1 = vector.load %arg1[%get3A, %get3A_0] : memref<1000x128xf32, #tpu.memory_space<vmem>>, vector<1000x128xf32>
    %get3A_2 = arith.constant 0 : index
    %get3A_3 = arith.constant 0 : index
    %get3A_4 = vector.load %arg2[%get3A_2, %get3A_3] : memref<1000x1xf32, #tpu.memory_space<vmem>>, vector<1000x1xf32>
    %mul3A = vector.broadcast %get3A_4 : vector<1000x1xf32> to vector<1000x128xf32>
    %mul3A_5 = arith.mulf %get3A_1, %mul3A : vector<1000x128xf32>
    %convert_element_type3A = arith.truncf %mul3A_5 : vector<1000x128xf32> to vector<1000x128xbf16>
    %swap3A = arith.constant 0 : index
    %swap3A_6 = arith.constant 0 : index
    %swap3A_7 = vector.load %arg3[%swap3A, %swap3A_6] : memref<1000x128xbf16, #tpu.memory_space<vmem>>, vector<1000x128xbf16>
    tpu.vector_store %arg3[%swap3A, %swap3A_6], %convert_element_type3A {strides = array<i32>} : memref<1000x128xbf16, #tpu.memory_space<vmem>>, vector<1000x128xbf16>,
    return
  }
  func.func @transform_0(%arg0: i32) -> (i32, i32) {
    %c0_i32 = arith.constant 0 : i32
    %c0_i32_0 = arith.constant 0 : i32
    return %arg0, %c0_i32 : i32, i32
  }
  func.func @transform_1(%arg0: i32) -> (i32, i32) {
    %c0_i32 = arith.constant 0 : i32
    %c0_i32_0 = arith.constant 0 : i32
    return %arg0, %c0_i32 : i32, i32
  }
  func.func @transform_2(%arg0: i32) -> (i32, i32) {
    %c0_i32 = arith.constant 0 : i32
    %c0_i32_0 = arith.constant 0 : i32
    return %arg0, %c0_i32 : i32, i32
  }
}

module attributes {stable_mosaic.version = 14 : i64} {
  func.func @_apply_body(%arg0: i32, %arg1: memref<2x1000x128xbf16, #tpu.memory_space<vmem>>, %arg2: memref<1000x1xf32, #tpu.memory_space<vmem>>, %arg3: memref<128x128xf32, #tpu.memory_space<vmem>>, %arg4: memref<1x128xf32, #tpu.memory_space<vmem>>, %arg5: memref<1000x128xf32, #tpu.memory_space<vmem>>) attributes {dimension_semantics = [#tpu.dimension_semantics<arbitrary>], iteration_bounds = array<i64: 10>, scalar_prefetch = 0 : i64, scratch_operands = 0 : i64, tpu.core_type = #tpu.core_type<tc>, window_params = [{transform_indices = @transform_0, window_bounds = array<i64: 2, 1000, 128>}, {transform_indices = @transform_1, window_bounds = array<i64: 1000, 1>}, {pipeline_mode = #tpu.pipeline_mode<synchronous>, transform_indices = @transform_2, window_bounds = array<i64: 128, 128>}, {pipeline_mode = #tpu.pipeline_mode<synchronous>, transform_indices = @transform_3, window_bounds = array<i64: 1, 128>}, {transform_indices = @transform_4, window_bounds = array<i64: 1000, 128>}]} {
    %get3A = arith.constant 0 : index
    %get3A_0 = arith.constant 0 : index
    %get3A_1 = arith.constant 0 : index
    %get3A_2 = vector.load %arg1[%get3A, %get3A_0, %get3A_1] : memref<2x1000x128xbf16, #tpu.memory_space<vmem>>, vector<1x1000x128xbf16>
    %get3A_3 = vector.shape_cast %get3A_2 : vector<1x1000x128xbf16> to vector<1000x128xbf16>
    %convert_element_type3A = arith.extf %get3A_3 : vector<1000x128xbf16> to vector<1000x128xf32>
    %get3A_4 = arith.constant 1 : index
    %get3A_5 = arith.constant 0 : index
    %get3A_6 = arith.constant 0 : index
    %get3A_7 = vector.load %arg1[%get3A_4, %get3A_5, %get3A_6] : memref<2x1000x128xbf16, #tpu.memory_space<vmem>>, vector<1x1000x128xbf16>
    %get3A_8 = vector.shape_cast %get3A_7 : vector<1x1000x128xbf16> to vector<1000x128xbf16>
    %convert_element_type3A_9 = arith.extf %get3A_8 : vector<1000x128xbf16> to vector<1000x128xf32>
    %add3A = arith.addf %convert_element_type3A, %convert_element_type3A_9 : vector<1000x128xf32>
    %get3A_10 = arith.constant 0 : index
    %get3A_11 = arith.constant 0 : index
    %get3A_12 = vector.load %arg2[%get3A_10, %get3A_11] : memref<1000x1xf32, #tpu.memory_space<vmem>>, vector<1000x1xf32>
    %mul3A = vector.broadcast %get3A_12 : vector<1000x1xf32> to vector<1000x128xf32>
    %mul3A_13 = arith.mulf %add3A, %mul3A : vector<1000x128xf32>
    %get3A_14 = arith.constant 0 : index
    %get3A_15 = arith.constant 0 : index
    %get3A_16 = vector.load %arg3[%get3A_14, %get3A_15] : memref<128x128xf32, #tpu.memory_space<vmem>>, vector<128x128xf32>
    %dot_general3A = arith.constant dense<0.000000e+00> : vector<1000x128xf32>
    %dot_general3A_17 = tpu.matmul %mul3A_13, %get3A_16, %dot_general3A {dimension_numbers = #tpu.dot_dimension_numbers<[1], [1], [0], [0], [0, 0, 1, 0], [], []>, transpose_lhs_hint = false} : vector<1000x128xf32>, vector<128x128xf32>, vector<1000x128xf32> -> vector<1000x128xf32>
    %get3A_18 = arith.constant 0 : index
    %get3A_19 = arith.constant 0 : index
    %get3A_20 = vector.load %arg4[%get3A_18, %get3A_19] : memref<1x128xf32, #tpu.memory_space<vmem>>, vector<1x128xf32>
    %add3A_21 = vector.broadcast %get3A_20 : vector<1x128xf32> to vector<1000x128xf32>
    %add3A_22 = arith.addf %dot_general3A_17, %add3A_21 : vector<1000x128xf32>
    %max3A = arith.constant 0.000000e+00 : f32
    %max3A_23 = vector.broadcast %max3A : f32 to vector<1000x128xf32>
    %max3A_24 = arith.maximumf %add3A_22, %max3A_23 : vector<1000x128xf32>
    %swap3A = arith.constant 0 : index
    %swap3A_25 = arith.constant 0 : index
    %swap3A_26 = vector.load %arg5[%swap3A, %swap3A_25] : memref<1000x128xf32, #tpu.memory_space<vmem>>, vector<1000x128xf32>
    tpu.vector_store %arg5[%swap3A, %swap3A_25], %max3A_24 {strides = array<i32>} : memref<1000x128xf32, #tpu.memory_space<vmem>>, vector<1000x128xf32>,
    return
  }
  func.func @transform_0(%arg0: i32) -> (i32, i32, i32) {
    %c0_i32 = arith.constant 0 : i32
    %c0_i32_0 = arith.constant 0 : i32
    %c0_i32_1 = arith.constant 0 : i32
    return %c0_i32, %arg0, %c0_i32_0 : i32, i32, i32
  }
  func.func @transform_1(%arg0: i32) -> (i32, i32) {
    %c0_i32 = arith.constant 0 : i32
    %c0_i32_0 = arith.constant 0 : i32
    return %arg0, %c0_i32 : i32, i32
  }
  func.func @transform_2(%arg0: i32) -> (i32, i32) {
    %c0_i32 = arith.constant 0 : i32
    %c0_i32_0 = arith.constant 0 : i32
    %c0_i32_1 = arith.constant 0 : i32
    return %c0_i32, %c0_i32_0 : i32, i32
  }
  func.func @transform_3(%arg0: i32) -> (i32, i32) {
    %c0_i32 = arith.constant 0 : i32
    %c0_i32_0 = arith.constant 0 : i32
    %c0_i32_1 = arith.constant 0 : i32
    return %c0_i32, %c0_i32_0 : i32, i32
  }
  func.func @transform_4(%arg0: i32) -> (i32, i32) {
    %c0_i32 = arith.constant 0 : i32
    %c0_i32_0 = arith.constant 0 : i32
    return %arg0, %c0_i32 : i32, i32
  }
}

</mosaic_0001>

<sc_bundles>
// kernel: kernel.5.cloned.1.call-start
scs
__scs_entry_jumppad:
0x0: {  	(pc) =	sbr.rel $0x88, $3  }
0x1: {  	(tag) =	ssettag $0x0;
	lr =	simm.s32 $0x1  }
0x2: {  	[smem:$0x3F9C] =	sst lr;
	_ =	strace $0xD0000000  }
0x3: {  	_ = 	snop  }
0x4: {  	_ = 	snop  }
0x5: {  	_ = 	snop  }
0x6: {  	_ = 	snop  }
0x7: {  	_ = 	snop  }
__scs_overlays_trampoline_lowered:
0x8: {  	[smem:$0x3FAB] =	sst s0  }
0x9: {  	[smem:$0x3FAC] =	sst s1  }
0xa: {  	[smem:$0x3FAD] =	sst s2  }
0xb: {  	[smem:$0x3FAE] =	sst s3  }
0xc: {  	[smem:$0x3FAF] =	sst s4  }
0xd: {  	[smem:$0x3FB0] =	sst s5  }
0xe: {  	[smem:$0x3FB1] =	sst s6  }
0xf: {  	[smem:$0x3FB2] =	sst s7  }
0x10: {  	[smem:$0x3FB3] =	sst s8  }
0x11: {  	[smem:$0x3FB4] =	sst s9;
	s0 =	simm.s32 @!p0 $0x0  }
0x12: {  	s1 =	sld [smem:$0x3F9A];
	s0 =	simm.s32 @p0 $0x1  }
0x13: {  	[smem:$0x3FB5] =	sst s0;
	s0 =	simm.s32 @!p1 $0x0  }
0x14: {  	s2 =	sld [smem:$0x3F99];
	s0 =	simm.s32 @p1 $0x1  }
0x15: {  	[smem:$0x3FB6] =	sst s0;
	s0 =	simm.s32 @!p2 $0x0  }
0x16: {  	s3 =	sld [smem:$0x3FDB];
	s0 =	simm.s32 @p2 $0x1  }
0x17: {  	s4 =	simm.s32 $0x1BF5;
	[smem:$0x3FB8] =	sst s0  }
0x18: {  	s0 =	sld [smem:$0x3F9B];
	_ =	swait.ge [sflag:s4], $0x0  }
0x19: {  	s7 =	sld [smem:$0x3F9C]  }
0x1a: {  	s8 =	sadd.s32 $0xFFFFE003, lr  }
0x1b: {  	s9 =	sadd.s32 $0xFFFFFEF7, lr;
	s5 =	simm.s32 $0xFFFFFFFF;
	p2 =	slt.u32 s8, $0xFFFFF086  }
0x1c: {  	p1 =	slt.u32 s9, $0xF7A;
	s5 =	simm.s32 @!p2 $0x0  }
0x1d: {  	s5 =	simm.s32 @p1 $0x1;
	p0 =	seq.s32 s7, s2  }
0x1e: {  	s7 =	smul.u32 @!p0 $0xF7A, s2;
	p2 =	seq.s32 @!p0 s5, $0x0  }
0x1f: {  	s9 =	smul.u32 $0xF7A, s1;
	s8 =	simm.s32 @!p0 $0x1BF5;
	p2 =	por !p2, p0  }
0x20: {  	[sflag:s8] =	ssyncset.s32 @!p0 $0xFFFFF086;
	s6 =	sadd.s32 @!p0 s3, s7;
	s7 =	simm.s32 @!p0 $0x108  }
0x21: {  	s3 =	sadd.s32 s3, s9;
	s6 =	sadd.s32 @!p0 $0x88, s6;
	s7 =	simm.s32 @p2 $0x1082  }
0x22: {  	[simem:s7], [sflag:s8] =	dma.local @!p0 [hbm:s6], $0xF7A  }
0x23: {  	s9 =	sor.u32 $0xD0000000, s2;
	s6 =	simm.s32 $0x108;
	_ =	swait.ge @!p0 [sflag:s8], $0x0  }
0x24: {  	s3 =	sadd.s32 $0x88, s3;
	s6 =	simm.s32 @!p1 $0x1082;
	[sflag:s4] =	ssyncset.s32 $0xFFFFF086  }
0x25: {  	[simem:s6], [sflag:s4] =	dma.local [hbm:s3], $0xF7A  }
0x26: {  	[smem:$0x3F9C] =	sst s1;
	(tag) =	ssettag s2;
	_ =	strace s9  }
0x27: {  	s1 =	sld [smem:$0x3FAC]  }
0x28: {  	s2 =	sld [smem:$0x3FAD]  }
0x29: {  	s4 =	sld [smem:$0x3FAF]  }
0x2a: {  	p0 =	seq.s32 s5, $0x0;
	s5 =	sld [smem:$0x3FB0]  }
0x2b: {  	s6 =	sld [smem:$0x3FB1]  }
0x2c: {  	s7 =	sld [smem:$0x3FB2]  }
0x2d: {  	s3 =	simm.s32 $0x108;
	s8 =	sld [smem:$0x3FB3]  }
0x2e: {  	s3 =	simm.s32 @!p0 $0x1082;
	s9 =	sld [smem:$0x3FB4]  }
0x2f: {  	lr =	sadd.s32 s0, s3;
	s0 =	sld [smem:$0x3FAB]  }
0x30: {  	s3 =	sld [smem:$0x3FAE]  }
0x31: {  	[smem:$0x3FB7] =	sst s10  }
0x32: {  	s10 =	sld [smem:$0x3FB5];
	_ =	sdelay $0x3  }
0x33: {  	p0 =	seq.s32 s10, $0x1;
	s10 =	sld [smem:$0x3FB7];
	_ =	sdelay $0x3  }
0x34: {  	[smem:$0x3FB7] =	sst s10  }
0x35: {  	s10 =	sld [smem:$0x3FB6];
	_ =	sdelay $0x3  }
0x36: {  	p1 =	seq.s32 s10, $0x1;
	s10 =	sld [smem:$0x3FB7];
	_ =	sdelay $0x3  }
0x37: {  	[smem:$0x3FB7] =	sst s10  }
0x38: {  	s10 =	sld [smem:$0x3FB8]  }
0x39: {  	_ = 	snop;
	(pc) =	sbr.ind lr, $3  }
0x3a: {  	_ = 	snop  }
0x3b: {  	_ = 	snop  }
0x3c: {  	p2 =	seq.s32 s10, $0x1;
	s10 =	sld [smem:$0x3FB7]  }
0x3d: {  	_ =	shalt  }
0x3e: {  	_ =	shalt  }
0x3f: {  	_ =	shalt  }
0x40: {  	_ =	shalt  }
0x41: {  	_ =	shalt  }
0x42: {  	_ =	shalt  }
0x43: {  	_ =	shalt  }
0x44: {  	_ =	shalt  }
0x45: {  	_ =	shalt  }
0x46: {  	_ =	shalt  }
0x47: {  	_ =	shalt  }
0x48: {  	_ =	shalt  }
0x49: {  	_ =	shalt  }
0x4a: {  	_ =	shalt  }
0x4b: {  	_ =	shalt  }
0x4c: {  	_ =	shalt  }
0x4d: {  	_ =	shalt  }
0x4e: {  	_ =	shalt  }
0x4f: {  	_ =	shalt  }
0x50: {  	_ =	shalt  }
0x51: {  	_ =	shalt  }
0x52: {  	_ =	shalt  }
0x53: {  	_ =	shalt  }
0x54: {  	_ =	shalt  }
0x55: {  	_ =	shalt  }
0x56: {  	_ =	shalt  }
0x57: {  	_ =	shalt  }
0x58: {  	_ =	shalt  }
0x59: {  	_ =	shalt  }
0x5a: {  	_ =	shalt  }
0x5b: {  	_ =	shalt  }
0x5c: {  	_ =	shalt  }
0x5d: {  	_ =	shalt  }
0x5e: {  	_ =	shalt  }
0x5f: {  	_ =	shalt  }
0x60: {  	_ =	shalt  }
0x61: {  	_ =	shalt  }
0x62: {  	_ =	shalt  }
0x63: {  	_ =	shalt  }
0x64: {  	_ =	shalt  }
0x65: {  	_ =	shalt  }
0x66: {  	_ =	shalt  }
0x67: {  	_ =	shalt  }
0x68: {  	_ =	shalt  }
0x69: {  	_ =	shalt  }
0x6a: {  	_ =	shalt  }
0x6b: {  	_ =	shalt  }
0x6c: {  	_ =	shalt  }
0x6d: {  	_ =	shalt  }
0x6e: {  	_ =	shalt  }
0x6f: {  	_ =	shalt  }
0x70: {  	_ =	shalt  }
0x71: {  	_ =	shalt  }
0x72: {  	_ =	shalt  }
0x73: {  	_ =	shalt  }
0x74: {  	_ =	shalt  }
0x75: {  	_ =	shalt  }
0x76: {  	_ =	shalt  }
0x77: {  	_ =	shalt  }
0x78: {  	_ =	shalt  }
0x79: {  	_ =	shalt  }
0x7a: {  	_ =	shalt  }
0x7b: {  	_ =	shalt  }
0x7c: {  	_ =	shalt  }
0x7d: {  	_ =	shalt  }
0x7e: {  	_ =	shalt  }
0x7f: {  	_ =	shalt  }
0x80: {  	_ =	shalt  }
0x81: {  	_ =	shalt  }
0x82: {  	_ =	shalt  }
0x83: {  	_ =	shalt  }
0x84: {  	_ =	shalt  }
0x85: {  	_ =	shalt  }
0x86: {  	_ =	shalt  }
0x87: {  	_ =	shalt  }
.Lfunc_end0:
.L_simem_size_0:
called_computation_lowered:
.L_overlay_start_0:
0x88: {  	s2 =	sld [smem:$0x3FD9]  }
0x89: {  	s3 =	sld [smem:$0x3FFE];
	_ =	sdelay $0x1  }
0x8a: {  	s1 =	srdreg.scid  }
0x8b: {  	s0 =	sand.u32 $0x1, s1  }
0x8c: {  	s17 =	sshll.u32 s0, $0xA;
	s2 =	sadd.s32 s3, s2  }
0x8d: {  	s2 =	sadd.s32 s2, s17  }
0x8e: {  	[smem:$0x3FC3] =	sst s2  }
0x8f: {  	_ = 	snop  }
0x90: {  	s2 =	sld [smem:$0x3FD0];
	(tm) =	ssettm $0x1  }
0x91: {  	s18 =	sld [smem:$0x3FFB];
	_ =	sdelay $0x3  }
0x92: {  	_ =	strace s18  }
0x93: {  	s3 =	sld [smem:$0x3FFC];
	_ =	sdelay $0x3  }
0x94: {  	_ =	strace s3  }
0x95: {  	s3 =	sld [smem:$0x3FFD];
	_ =	sdelay $0x3  }
0x96: {  	_ =	strace s3  }
0x97: {  	_ =	strace $0x8FFFFFFF  }
0x98: {  	s19 =	sld [smem:$0x3FDB];
	_ =	sdelay $0x1  }
0x99: {  	s4 =	simm.s32 $_scs_section_size  }
0x9a: {  	s5 =	simm.s32 $_size__tile_overlayer_lowered;
	s6 =	simm.s32 $_tile_overlayer_lowered  }
0x9b: {  	s22 =	simm.s32 $0x1BFF;
	s21 =	sshll.u32 s6, $0x1;
	s3 =	sadd.s32 s4, s19  }
0x9c: {  	s7 =	simm.s32 $0x0;
	s20 =	sshll.u32 s5, $0x1;
	s5 =	sadd.s32 s21, s3  }
0x9d: {  	[timem:s7], [sflag:s22] =	dma.local [hbm:s5], s20  }
0x9e: {  	_ =	swait.ge [sflag:s22], s20  }
0x9f: {  	s4 =	ssub.s32 $0x0, s20;
	[sflag:s22] =	ssyncset.done $0x0  }
0xa0: {  	[sflag:s22] =	ssyncadd.s32 s4;
	_ =	sdelay $0x1  }
0xa1: {  	s23 =	simm.s32 $0x1B8B  }
0xa2: {  	_ =	swait.ge [sflag:s23], $0x1  }
0xa3: {  	[sflag:s23] =	ssyncset.done $0x0  }
0xa4: {  	s25 =	simm.s32 $0x1B8E;
	s24 =	sld [smem:$0x3FFE];
	[sflag:s23] =	ssyncadd.s32 $0xFFFFFFFF  }
0xa5: {  	s26 =	simm.s32 $execute0_lowered;
	[smem:$0x3FD2] =	sst s25  }
0xa6: {  	s5 =	sshll.u32 s26, $0x1;
	_ =	strace $0x80000046;
	[dreg:$0x1] =	wrdreg $0xFFFFFFFF  }
0xa7: {  	s28 =	simm.s32 $_size_execute0_lowered;
	s3 =	sadd.s32 s3, s5;
	[dreg:$0x0] =	wrdreg $0x0  }
0xa8: {  	s5 =	sshll.u32 s28, $0x1;
	[dreg:$0x2] =	wrdreg s3  }
0xa9: {  	[dreg:$0x3] =	wrdreg s5  }
0xaa: {  	[dreg:$0x4] =	wrdreg $0xC0  }
0xab: {  	_ =	task [dreg:s7], $0x5FFFF  }
0xac: {  	[dreg:$0x1] =	wrdreg $0xFFFFFFFF  }
0xad: {  	[dreg:$0x0] =	wrdreg $0x60  }
0xae: {  	[dreg:$0x2] =	wrdreg s2  }
0xaf: {  	[dreg:$0x3] =	wrdreg s24  }
0xb0: {  	[dreg:$0x4] =	wrdreg $0xB1000  }
0xb1: {  	[dreg:$0x5] =	wrdreg $0x14F000  }
0xb2: {  	[dreg:$0x6] =	wrdreg $0x9  }
0xb3: {  	_ =	task.clear_ibuf [dreg:s7], $0x7FFFF;
	_ =	strace $0x90000046  }
0xb4: {  	s29 =	simm.s32 $0x9;
	_ =	strace $0x80000048  }
0xb5: {  	_ =	swait.ge [sflag:s29], $0x1  }
0xb6: {  	[sflag:s29] =	ssyncadd.s32 $0xFFFFFFFF  }
0xb7: {  	_ =	strace $0x90000048  }
0xb8: {  	_ =	sfence  }
0xb9: {  	s30 =	sld [smem:$0x0];
	_ =	sdelay $0x2  }
0xba: {  	s31 =	sshll.u32 s1, $0xD;
	s1 =	sshrl.u32 s1, $0x2  }
0xbb: {  	s3 =	sand.u32 $0x4000, s31;
	s1 =	sadd.s32 s1, s30  }
0xbc: {  	s0 =	sor.u32 s3, s0;
	s1 =	sshll.u32 s1, $0x11  }
0xbd: {  	s0 =	sor.u32 s1, s0  }
0xbe: {  	s0 =	sadd.s32 $0x8F2B, s0  }
0xbf: {  	[sflag:s0] =	ssyncadd.remote.s32 $0x1  }
0xc0: {  	_ =	sfence.sel $0xFFFF  }
0xc1: {  	[dreg:$0x0] =	wrdreg $0xFFFFFFFF;
	(pc) =	sbr.abs _section_cstart, $3  }
0xc2: {  	[dreg:$0x1] =	wrdreg $0xFFFFFFFF  }
0xc3: {  	_ =	task.clear_ibuf [dreg:s7], $0x2FFFF;
	_ =	strace $0x9FFFFFFF  }
0xc4: {  	(tm) =	ssettm $0x7FFFFFFF  }
0xc5: {  	_ =	shalt  }
tec
execute0_lowered:
.L_overlay_start_1:
0x0: {  	(tag) =	ssettag $0x1  }
0x1: {  	s8 =	rddreg [dreg:$0x0]  }
0x2: {  	s5 =	rddreg [dreg:$0x1]  }
0x3: {  	s2 =	rddreg [dreg:$0x2]  }
0x4: {  	s3 =	rddreg [dreg:$0x3]  }
0x5: {  	s4 =	srdreg.scid;
	s1 =	stileid.u32  }
0x6: {  	s16 =	simm.s32 $0x4;
	s21 =	simm.s32 $0x5100;
	s22 =	simm.s32 $0x80  }
0x7: {  	s23 =	simm.s32 $0x7100;
	s24 =	simm.s32 $0x9100;
	s25 =	simm.s32 $0x1  }
0x8: {  	s26 =	simm.s32 $0x2;
	s28 =	simm.s32 $0x3;
	s29 =	simm.s32 $0x0  }
0x9: {  	s6 =	sand.u32 $0x1, s4;
	s7 =	smul.u32 $0x13C00, s1;
	s4 =	simm.s32 $0x0  }
0xa: {  	s31 =	smul.u32 $0x27800, s1;
	s18 =	sadd.s32 $0x94200, s2;
	p0 =	seq.s32 s1, $0xF  }
0xb: {  	s9 =	sshll.u32 s6, $0x4;
	s10 =	smul.u32 $0x13C000, s6;
	[smem:$0x7FF] =	sst s4  }
0xc: {  	s6 =	ssub.s32 $0x2, s6;
	s19 =	sshll.u32 @!p0 s1, $0x6;
	s18 =	sshrl.u32 @p0 s18, $0x3  }
0xd: {  	s9 =	sor.u32 s1, s9;
	_ =	strace $0x80000047;
	s11 =	sshrl.u32 s6, $0x1  }
0xe: {  	s30 =	sshrl.u32 s7, $0x1;
	s19 =	sor.u32 @!p0 $0x1C04, s19;
	s9 =	smul.u32 $0x510, s9  }
0xf: {  	s10 =	sadd.s32 s7, s10;
	s15 =	ssub.s32 s6, s11;
	s20 =	sadd.s32 s30, s2  }
0x10: {  	s7 =	sshrl.u32 s7, $0x4;
	s11 =	sshrl.u32 s31, $0x2;
	s10 =	sshrl.u32 s10, $0x4  }
0x11: {  	s7 =	sadd.s32 s8, s7;
	s8 =	sadd.s32 $0x12840, s8;
	s13 =	sadd.s32 s11, s3  }
0x12: {  	s15 =	smax.u32 s15, $0x1;
	s20 =	sshrl.u32 @!p0 s20, $0x3;
	s9 =	sadd.s32 s9, s5  }
0x13: {  	s14 =	sadd.s32 s10, s5;
	s10 =	sadd.s32 $0x2000, s13;
	s11 =	sadd.s32 $0x4000, s13  }
0x14: {  	s12 =	sadd.s32 $0x6000, s13;
	s13 =	sadd.s32 $0x8000, s13;
	s5 =	sadd.s32 $0xAC00, s9  }
0x15: {  	v0 =	vimm.bf16 $0.0e+00;
	s6 =	sadd.s32 $0xA00, s9;
	s9 =	sadd.s32 s30, s3;
	s14 =	sadd.s32 $0x14E00, s14  }
.LBB2_1:
0x16: {  	[tilespmem:s4], [sflag:$0x4] =	stream.linear.gather [hbm4b:s5+s4], $0x2880, $0x38;
	[tilespmem:$0x1ED00] =	vst v63  }
0x17: {  	_ =	swait.ge [sflag:s16], $0x2880  }
0x18: {  	[sflag:s16] =	ssyncset.done $0x0  }
0x19: {  	s0 =	simm.s32 $0x2880;
	[sflag:s16] =	ssyncadd.s32 $0xFFFFD780  }
0x1a: {  	[tilespmem:s0], [sflag:$0x4] =	stream.linear.gather [hbm4b:s6+s4], $0x2880, $0x38;
	[tilespmem:$0x1ED00] =	vst v63  }
0x1b: {  	_ =	swait.ge [sflag:s16], $0x2880  }
0x1c: {  	[sflag:s16] =	ssyncset.done $0x0  }
0x1d: {  	s30 =	simm.s32 @p0 $0x1FC4;
	[sflag:s16] =	ssyncadd.s32 $0xFFFFD780  }
0x1e: {  	[spmem:s18], [sflag:s30] =	dma.local @p0 [hbm:s8], $0x1040  }
0x1f: {  	s30 =	simm.s32 @p0 $0x4  }
0x20: {  	_ =	swait.ge @p0 [sflag:s30], $0x1040  }
0x21: {  	[sflag:s30] =	ssyncset.done @p0 $0x0  }
0x22: {  	[sflag:s30] =	ssyncadd.s32 @p0 $0xFFFFEFC0;
	s30 =	simm.s32 @!p0 $0x4  }
0x23: {  	[spmem:s20], [sflag:s19] =	dma.local @!p0 [hbm:s7], $0x13C0  }
0x24: {  	_ =	swait.ge @!p0 [sflag:s30], $0x13C0  }
0x25: {  	[sflag:s30] =	ssyncset.done @!p0 $0x0  }
0x26: {  	s31 =	simm.s32 $0x100;
	[sflag:s30] =	ssyncadd.s32 @!p0 $0xFFFFEC40;
	s30 =	simm.s32 $0x0  }
.LBB2_2:
0x27: {  	p1 =	sne.s32 s31, $0x7F00;
	[tilespmem:s30+$0x5130] =	vst v0;
	s0 =	smov.u32 s31;
	s31 =	sadd.s32 $0x100, s31  }
.Ltmp0:
0x28: {  	[tilespmem:s30+$0x5120] =	vst v0;
	(pc) =	sbr.rel @p1 .LBB2_2-.Ltmp0, $3  }
0x29: {  	[tilespmem:s30+$0x5100] =	vst v0  }
0x2a: {  	[tilespmem:s30+$0x5110] =	vst v0;
	_ =	sdelay $0x1  }
0x2b: {  	s30 =	sshra.s32 s0, $0x2  }
0x2c: {  	[tilespmem:s30+$0x5130] =	vst v0  }
0x2d: {  	[tilespmem:s30+$0x5120] =	vst v0  }
0x2e: {  	[tilespmem:s30+$0x5100] =	vst v0  }
0x2f: {  	[tilespmem:s30+$0x5110] =	vst v0  }
0x30: {  	[spmem:s9] =	stream.linear.scatter [tilespmem:s21], [sflag:$0x4], $0x2000, $0x38;
	[tilespmem:$0x1ED00] =	vst v63  }
0x31: {  	_ =	swait.ge [sflag:s16], $0x2000  }
0x32: {  	[sflag:s16] =	ssyncset.done $0x0  }
0x33: {  	[sflag:s16] =	ssyncadd.s32 $0xFFFFE000  }
0x34: {  	[spmem:s10] =	stream.linear.scatter [tilespmem:s21], [sflag:$0x4], $0x2000, $0x38;
	[tilespmem:$0x1ED00] =	vst v63  }
0x35: {  	_ =	swait.ge [sflag:s16], $0x2000  }
0x36: {  	[sflag:s16] =	ssyncset.done $0x0  }
0x37: {  	[sflag:s16] =	ssyncadd.s32 $0xFFFFE000  }
0x38: {  	[spmem:s11] =	stream.linear.scatter [tilespmem:s21], [sflag:$0x4], $0x2000, $0x38;
	[tilespmem:$0x1ED00] =	vst v63  }
0x39: {  	_ =	swait.ge [sflag:s16], $0x2000  }
0x3a: {  	[sflag:s16] =	ssyncset.done $0x0  }
0x3b: {  	[sflag:s16] =	ssyncadd.s32 $0xFFFFE000  }
0x3c: {  	[spmem:s12] =	stream.linear.scatter [tilespmem:s21], [sflag:$0x4], $0x2000, $0x38;
	[tilespmem:$0x1ED00] =	vst v63  }
0x3d: {  	_ =	swait.ge [sflag:s16], $0x2000  }
0x3e: {  	[sflag:s16] =	ssyncset.done $0x0  }
0x3f: {  	[sflag:s16] =	ssyncadd.s32 $0xFFFFE000  }
0x40: {  	[spmem:s13] =	stream.linear.scatter [tilespmem:s21], [sflag:$0x4], $0x1E00, $0x38;
	[tilespmem:$0x1ED00] =	vst v63  }
0x41: {  	_ =	swait.ge [sflag:s16], $0x1E00  }
0x42: {  	[sflag:s16] =	ssyncset.done $0x0  }
0x43: {  	[sflag:s16] =	ssyncadd.s32 $0xFFFFE200  }
0x44: {  	s0 =	simm.s32 $0x0;
	[bflag:$0x0] =	sbarrier.arrive $0xFFFF  }
0x45: {  	[tilespmem:s21], [sflag:$0x1] =	stream.indirect.gather [spmem:s2], $0x40, s0, s22, $0xb8;
	[tilespmem:$0x1ED00] =	vst v63  }
0x46: {  	s17 =	simm.s32 $0x80  }
0x47: {  	[tilespmem:s23], [sflag:$0x2] =	stream.indirect.gather [spmem:s2], $0x40, s17, s22, $0xb8;
	[tilespmem:$0x1ED00] =	vst v63  }
0x48: {  	s17 =	simm.s32 $0x100  }
0x49: {  	[tilespmem:s24], [sflag:$0x3] =	stream.indirect.gather [spmem:s2], $0x40, s17, s22, $0xb8;
	[tilespmem:$0x1ED00] =	vst v63  }
0x4a: {  	_ =	swait.ge [sflag:s25], $0x2000  }
0x4b: {  	[sflag:s25] =	ssyncset.done $0x0  }
0x4c: {  	s17 =	simm.s32 $0x2880;
	[sflag:s25] =	ssyncadd.s32 $0xFFFFE000  }
0x4d: {  	[spmem:s3] =	stream.indirect.scatter.add.bf16 [tilespmem:s21], [sflag:$0x4], $0x40, s17, s22, $0xb8;
	[tilespmem:$0x1ED00] =	vst v63  }
0x4e: {  	_ =	swait.ge [sflag:s16], $0x2000  }
0x4f: {  	[sflag:s16] =	ssyncset.done $0x0  }
0x50: {  	[sflag:s16] =	ssyncadd.s32 $0xFFFFE000  }
0x51: {  	_ =	swait.ge [sflag:s26], $0x2000  }
0x52: {  	[sflag:s26] =	ssyncset.done $0x0  }
0x53: {  	s17 =	simm.s32 $0x2900;
	[sflag:s26] =	ssyncadd.s32 $0xFFFFE000  }
0x54: {  	[spmem:s3] =	stream.indirect.scatter.add.bf16 [tilespmem:s23], [sflag:$0x4], $0x40, s17, s22, $0xb8;
	[tilespmem:$0x1ED00] =	vst v63  }
0x55: {  	_ =	swait.ge [sflag:s16], $0x2000  }
0x56: {  	[sflag:s16] =	ssyncset.done $0x0  }
0x57: {  	[sflag:s16] =	ssyncadd.s32 $0xFFFFE000  }
0x58: {  	_ =	swait.ge [sflag:s28], $0x2000  }
0x59: {  	[sflag:s28] =	ssyncset.done $0x0  }
0x5a: {  	s17 =	simm.s32 $0x2980;
	[sflag:s28] =	ssyncadd.s32 $0xFFFFE000  }
0x5b: {  	[spmem:s3] =	stream.indirect.scatter.add.bf16 [tilespmem:s24], [sflag:$0x4], $0x40, s17, s22, $0xb8;
	[tilespmem:$0x1ED00] =	vst v63  }
0x5c: {  	_ =	swait.ge [sflag:s16], $0x2000  }
0x5d: {  	s30 =	simm.s32 $0x600;
	s31 =	simm.s32 $0xC00;
	[sflag:s16] =	ssyncset.done $0x0  }
.LBB2_4:
0x5e: {  	s0 =	sshra.s32 s30, $0x2  }
0x5f: {  	[sflag:s16] =	ssyncadd.s32 $0xFFFFE000;
	s30 =	smov.u32 s31;
	s17 =	sadd.s32 $0x600, s31  }
0x60: {  	[tilespmem:s21], [sflag:$0x1] =	stream.indirect.gather [spmem:s2], $0x40, s0, s22, $0xb8;
	[tilespmem:$0x1ED00] =	vst v63  }
0x61: {  	p1 =	sne.s32 s31, $0x9C00;
	s31 =	sadd.s32 $0x80, s0  }
0x62: {  	[tilespmem:s23], [sflag:$0x2] =	stream.indirect.gather [spmem:s2], $0x40, s31, s22, $0xb8;
	[tilespmem:$0x1ED00] =	vst v63  }
0x63: {  	s31 =	sadd.s32 $0x100, s0  }
0x64: {  	[tilespmem:s24], [sflag:$0x3] =	stream.indirect.gather [spmem:s2], $0x40, s31, s22, $0xb8;
	[tilespmem:$0x1ED00] =	vst v63  }
0x65: {  	_ =	swait.ge [sflag:s25], $0x2000  }
0x66: {  	[sflag:s25] =	ssyncset.done $0x0  }
0x67: {  	s31 =	sadd.s32 $0x2880, s0;
	[sflag:s25] =	ssyncadd.s32 $0xFFFFE000  }
0x68: {  	[spmem:s3] =	stream.indirect.scatter.add.bf16 [tilespmem:s21], [sflag:$0x4], $0x40, s31, s22, $0xb8;
	[tilespmem:$0x1ED00] =	vst v63  }
0x69: {  	_ =	swait.ge [sflag:s16], $0x2000  }
0x6a: {  	[sflag:s16] =	ssyncset.done $0x0  }
0x6b: {  	[sflag:s16] =	ssyncadd.s32 $0xFFFFE000  }
0x6c: {  	_ =	swait.ge [sflag:s26], $0x2000  }
0x6d: {  	[sflag:s26] =	ssyncset.done $0x0  }
0x6e: {  	s31 =	sadd.s32 $0x2900, s0;
	[sflag:s26] =	ssyncadd.s32 $0xFFFFE000  }
0x6f: {  	[spmem:s3] =	stream.indirect.scatter.add.bf16 [tilespmem:s23], [sflag:$0x4], $0x40, s31, s22, $0xb8;
	[tilespmem:$0x1ED00] =	vst v63  }
0x70: {  	_ =	swait.ge [sflag:s16], $0x2000  }
0x71: {  	[sflag:s16] =	ssyncset.done $0x0  }
0x72: {  	[sflag:s16] =	ssyncadd.s32 $0xFFFFE000  }
0x73: {  	_ =	swait.ge [sflag:s28], $0x2000  }
.Ltmp1:
0x74: {  	[sflag:s28] =	ssyncset.done $0x0;
	(pc) =	sbr.rel @p1 .LBB2_4-.Ltmp1, $4  }
0x75: {  	s0 =	sadd.s32 $0x2980, s0;
	[sflag:s28] =	ssyncadd.s32 $0xFFFFE000  }
0x76: {  	[spmem:s3] =	stream.indirect.scatter.add.bf16 [tilespmem:s24], [sflag:$0x4], $0x40, s0, s22, $0xb8;
	[tilespmem:$0x1ED00] =	vst v63  }
0x77: {  	_ =	swait.ge [sflag:s16], $0x2000  }
0x78: {  	s31 =	smov.u32 s17;
	[sflag:s16] =	ssyncset.done $0x0  }
0x79: {  	s0 =	sshra.s32 s30, $0x2;
	[sflag:s16] =	ssyncadd.s32 $0xFFFFE000  }
0x7a: {  	[tilespmem:s21], [sflag:$0x1] =	stream.indirect.gather [spmem:s2], $0x40, s0, s22, $0xb8;
	[tilespmem:$0x1ED00] =	vst v63  }
0x7b: {  	s17 =	sadd.s32 $0x80, s0  }
0x7c: {  	[tilespmem:s23], [sflag:$0x2] =	stream.indirect.gather [spmem:s2], $0x40, s17, s22, $0xb8;
	[tilespmem:$0x1ED00] =	vst v63  }
0x7d: {  	s31 =	sadd.s32 $0x100, s0  }
0x7e: {  	[tilespmem:s24], [sflag:$0x3] =	stream.indirect.gather [spmem:s2], $0x40, s31, s22, $0xb8;
	[tilespmem:$0x1ED00] =	vst v63  }
0x7f: {  	_ =	swait.ge [sflag:s25], $0x2000  }
0x80: {  	[sflag:s25] =	ssyncset.done $0x0  }
0x81: {  	s30 =	sadd.s32 $0x2880, s0;
	[sflag:s25] =	ssyncadd.s32 $0xFFFFE000  }
0x82: {  	[spmem:s3] =	stream.indirect.scatter.add.bf16 [tilespmem:s21], [sflag:$0x4], $0x40, s30, s22, $0xb8;
	[tilespmem:$0x1ED00] =	vst v63  }
0x83: {  	_ =	swait.ge [sflag:s16], $0x2000  }
0x84: {  	[sflag:s16] =	ssyncset.done $0x0  }
0x85: {  	[sflag:s16] =	ssyncadd.s32 $0xFFFFE000  }
0x86: {  	_ =	swait.ge [sflag:s26], $0x2000  }
0x87: {  	[sflag:s26] =	ssyncset.done $0x0  }
0x88: {  	s31 =	sadd.s32 $0x2900, s0;
	[sflag:s26] =	ssyncadd.s32 $0xFFFFE000  }
0x89: {  	[spmem:s3] =	stream.indirect.scatter.add.bf16 [tilespmem:s23], [sflag:$0x4], $0x40, s31, s22, $0xb8;
	[tilespmem:$0x1ED00] =	vst v63  }
0x8a: {  	_ =	swait.ge [sflag:s16], $0x2000  }
0x8b: {  	[sflag:s16] =	ssyncset.done $0x0  }
0x8c: {  	[sflag:s16] =	ssyncadd.s32 $0xFFFFE000  }
0x8d: {  	_ =	swait.ge [sflag:s28], $0x2000  }
0x8e: {  	[sflag:s28] =	ssyncset.done $0x0  }
0x8f: {  	s0 =	sadd.s32 $0x2980, s0;
	[sflag:s28] =	ssyncadd.s32 $0xFFFFE000  }
0x90: {  	[spmem:s3] =	stream.indirect.scatter.add.bf16 [tilespmem:s24], [sflag:$0x4], $0x40, s0, s22, $0xb8;
	[tilespmem:$0x1ED00] =	vst v63  }
0x91: {  	s29 =	sadd.s32 $0x1, s29;
	_ =	swait.ge [sflag:s16], $0x2000  }
0x92: {  	p1 =	sne.s32 s29, s15;
	[sflag:s16] =	ssyncset.done $0x0  }
0x93: {  	s30 =	sshll.u32 s1, $0x6;
	s31 =	sshrl.u32 s9, $0x3;
	[sflag:s16] =	ssyncadd.s32 $0xFFFFE000  }
.Ltmp2:
0x94: {  	s0 =	sor.u32 $0x1C04, s30;
	[bflag:$0x0] =	sbarrier.arrive $0xFFFF;
	(pc) =	sbr.rel @p1 .LBB2_1-.Ltmp2, $4  }
0x95: {  	[hbm:s14], [sflag:s0] =	dma.local [spmem:s31], $0x13C0  }
0x96: {  	_ =	swait.ge [sflag:s16], $0x13C0  }
0x97: {  	[sflag:s16] =	ssyncset.done $0x0  }
0x98: {  	[sflag:s16] =	ssyncadd.s32 $0xFFFFEC40  }
0x99: {  	_ =	sfence.sel $0x180000  }
0x9a: {  	[bflag:$0x0] =	sbarrier.arrive $0xFFFF  }
0x9b: {  	_ =	strace $0x90000047  }
0x9c: {  	[bflag:$0x2] =	sbarrier.arrive $0xFFFF  }
0x9d: {  	p0 =	sne.s32 s1, $0x0;
	s0 =	rddreg [dreg:$0x4]  }
0x9e: {  	s0 =	sadd.s32 @!p0 $0x100000, s0  }
0x9f: {  	[sflag:s0] =	ssyncadd.tile.s32 @!p0 $0x1;
	_ =	shalt  }
.Lfunc_end2:
_tile_overlayer_lowered:
.L_overlay_start_2:
0xa0: {  	(tag) =	ssettag $0x2  }
0xa1: {  	s0 =	rddreg [dreg:$0x0];
	s2 =	stileid.u32  }
0xa2: {  	s1 =	rddreg [dreg:$0x1];
	p0 =	sne.s32 s2, $0x0  }
0xa3: {  	s3 =	rddreg [dreg:$0x2];
	[bflag:$0x3] =	sbarrier.arrive $0xFFFF;
	s2 =	simm.s32 @!p0 $0x1C04  }
0xa4: {  	[timem:s3], [sflag:s2] =	dma.local @!p0 [hbm:s0], s1  }
0xa5: {  	s0 =	simm.s32 @!p0 $0x4  }
0xa6: {  	_ =	swait.ge @!p0 [sflag:s0], s1  }
0xa7: {  	s1 =	ssub.s32 @!p0 $0x0, s1;
	[sflag:s0] =	ssyncset.done @!p0 $0x0  }
0xa8: {  	[sflag:s0] =	ssyncadd.s32 @!p0 s1  }
0xa9: {  	[bflag:$0x3] =	sbarrier.arrive $0xFFFF  }
0xaa: {  	_ =	shalt  }

</sc_bundles>
